<compile_context>
chip_gen: v7x
topology: tpu7x:2x2x1
jax: 0.10.2.dev20260603
libtpu: 0.0.44.dev20260713+nightly
codegen_flags: <defaults>
</compile_context>

<pallas_src>
import functools
import jax
import jax.numpy as jnp
from jax import lax
from jax.experimental import pallas as pl
from jax.experimental.pallas import tpu as pltpu
from jax.experimental.pallas import tpu_sc as plsc

_L = 16


def _make_sc_kernel(B, S, D):
    NC, NS = 2, 16
    NW = NC * NS
    SPW = S // NW
    CHUNK = 16
    NCHUNK = SPW // CHUNK
    NSTEP = NCHUNK * B
    COLS = D // _L
    mesh = plsc.VectorSubcoreMesh(core_axis_name="c", subcore_axis_name="s")

    @functools.partial(
        pl.kernel,
        mesh=mesh,
        out_type=jax.ShapeDtypeStruct((B, S, D), jnp.float32),
        scratch_types=[
            pltpu.VMEM((2, CHUNK, D), jnp.float32),
            pltpu.VMEM((2, CHUNK, D), jnp.float32),
            pltpu.VMEM((CHUNK, D), jnp.float32),
            pltpu.SemaphoreType.DMA,
            pltpu.SemaphoreType.DMA,
            pltpu.SemaphoreType.DMA,
            pltpu.SemaphoreType.DMA,
        ],
    )
    def k(x_hbm, pos_hbm, out_hbm, xin, xout, pbuf, isem0, isem1, osem0, osem1):
        wid = lax.axis_index("s") * NC + lax.axis_index("c")
        base = wid * SPW
        isems = (isem0, isem1)
        osems = (osem0, osem1)

        def rows_of(step):
            return base + (step // B) * CHUNK

        def batch_of(step):
            return step % B

        def start_in(step, slot):
            pltpu.async_copy(
                x_hbm.at[batch_of(step), pl.ds(rows_of(step), CHUNK)],
                xin.at[slot],
                isems[slot],
            )

        start_in(0, 0)
        pltpu.sync_copy(pos_hbm.at[pl.ds(base, CHUNK)], pbuf)

        def half_step(step, slot):
            @pl.when(jnp.logical_and(step > 0, batch_of(step) == 0))
            def _():
                pltpu.sync_copy(pos_hbm.at[pl.ds(rows_of(step), CHUNK)], pbuf)

            @pl.when(step + 1 < NSTEP)
            def _():
                start_in(step + 1, 1 - slot)

            pltpu.make_async_copy(
                x_hbm.at[0, pl.ds(0, CHUNK)], xin.at[slot], isems[slot]
            ).wait()

            @pl.when(step >= 2)
            def _():
                pltpu.make_async_copy(
                    xout.at[slot], out_hbm.at[0, pl.ds(0, CHUNK)], osems[slot]
                ).wait()

            @plsc.parallel_loop(0, CHUNK * COLS, unroll=8)
            def _(i):
                r = i // COLS
                c = (i % COLS) * _L
                xout[slot, r, pl.ds(c, _L)] = (
                    xin[slot, r, pl.ds(c, _L)] + pbuf[r, pl.ds(c, _L)]
                )

            pltpu.async_copy(
                xout.at[slot],
                out_hbm.at[batch_of(step), pl.ds(rows_of(step), CHUNK)],
                osems[slot],
            )

        def step_body(g, carry):
            half_step(2 * g, 0)
            half_step(2 * g + 1, 1)
            return carry

        lax.fori_loop(0, NSTEP // 2, step_body, 0)

        for slot in range(2):
            pltpu.make_async_copy(
                xout.at[slot], out_hbm.at[0, pl.ds(0, CHUNK)], osems[slot]
            ).wait()

    return k


def kernel(x, pos_emb):
    B, S, D = x.shape
    return _make_sc_kernel(B, S, D)(x, pos_emb)

# --- scband reference (transcript-rebuilt; emitter-appended) ---
"""Pipeline reference for scband-learned-positional-encoding-48842368090204 (READ-ONLY COPY).

The authoritative reference and input builder live on the scoring server;
editing this copy changes nothing except your own understanding.
"""

import jax, jax.numpy as jnp
import numpy as np

D_MODEL = 1024
MAX_SEQ = 8192
BATCH = 4
SEQ = 4096

def setup_inputs(seed: int = 0) -> dict:
    key = jax.random.key(seed)
    k1, k2 = jax.random.split(key)
    x = jax.random.normal(k1, (BATCH, SEQ, D_MODEL), dtype=jnp.float32)
    # nn.Embedding weight initialized with normal(mean=0, std=0.02)
    pos_emb = jax.random.normal(k2, (MAX_SEQ, D_MODEL), dtype=jnp.float32) * 0.02
    return {"x": x, "pos_emb": pos_emb}

def reference(x, pos_emb):
    seq_len = x.shape[1]
    position_ids = jnp.arange(seq_len, dtype=jnp.int32)
    # expand to [batch, seq_len]
    position_ids = jnp.broadcast_to(position_ids[None, :], x.shape[:2])
    # embedding lookup -> [batch, seq_len, d_model]
    position_embeddings = jnp.take(pos_emb, position_ids, axis=0)
    out = x + position_embeddings
    # dropout=0.0 (identity)
    return out

if __name__ == "__main__":
    import jax
    _d = setup_inputs()
    print(jax.jit(kernel)(*tuple(_d.values())))

</pallas_src>

<mosaic_0001>
#map = affine_map<(d0, d1) -> (0, 0, 0)>
#map1 = affine_map<(d0, d1) -> (0, 0)>
module attributes {stable_mosaic.version = 14 : i64} {
  func.func @k(%arg0: i32, %arg1: i32, %arg2: memref<4x4096x1024xf32, #tpu.memory_space<hbm>>, %arg3: memref<8192x1024xf32, #tpu.memory_space<hbm>>, %arg4: memref<4x4096x1024xf32, #tpu.memory_space<hbm>>, %arg5: memref<2x16x1024xf32, #tpu.memory_space<vmem>>, %arg6: memref<2x16x1024xf32, #tpu.memory_space<vmem>>, %arg7: memref<16x1024xf32, #tpu.memory_space<vmem>>, %arg8: memref<!tpu.dma_semaphore, #tpu.memory_space<semaphore_mem>>, %arg9: memref<!tpu.dma_semaphore, #tpu.memory_space<semaphore_mem>>, %arg10: memref<!tpu.dma_semaphore, #tpu.memory_space<semaphore_mem>>, %arg11: memref<!tpu.dma_semaphore, #tpu.memory_space<semaphore_mem>>) attributes {dimension_semantics = [#tpu.dimension_semantics<core_parallel>, #tpu.dimension_semantics<subcore_parallel>], iteration_bounds = array<i64: 2, 16>, scalar_prefetch = 0 : i64, scratch_operands = 7 : i64, tpu.core_type = #tpu.core_type<sc_vector_subcore>, window_params = [{transform_indices = #map}, {transform_indices = #map1}, {transform_indices = #map}]} {
    %mul3A = arith.constant 2 : i32
    %mul3A_0 = arith.muli %arg1, %mul3A : i32
    %add3A = arith.addi %mul3A_0, %arg0 : i32
    %mul3A_1 = arith.constant 128 : i32
    %mul3A_2 = arith.muli %add3A, %mul3A_1 : i32
    %add3A_3 = arith.constant 0 : i32
    %add3A_4 = arith.addi %mul3A_2, %add3A_3 : i32
    %dma_start3A = arith.constant 0 : i32
    %dma_start3A_5 = arith.constant 0 : i32
    %dma_start3A_6 = arith.constant 0 : i32
    %dma_start3A_7 = arith.constant 0 : i32
    %dma_start3A_8 = tpu.memref_slice %arg5[%dma_start3A_5, %dma_start3A_6, %dma_start3A_7] : memref<2x16x1024xf32, #tpu.memory_space<vmem>> -> memref<1x16x1024xf32, #tpu.memory_space<vmem>>
    %dma_start3A_9 = tpu.memref_squeeze %dma_start3A_8 : memref<1x16x1024xf32, #tpu.memory_space<vmem>> -> memref<16x1024xf32, #tpu.memory_space<vmem>>
    %dma_start3A_10 = arith.constant 0 : i32
    %dma_start3A_11 = tpu.memref_slice %arg2[%dma_start3A, %add3A_4, %dma_start3A_10] : memref<4x4096x1024xf32, #tpu.memory_space<hbm>> -> memref<1x16x1024xf32, #tpu.memory_space<hbm>>
    %dma_start3A_12 = tpu.memref_squeeze %dma_start3A_11 : memref<1x16x1024xf32, #tpu.memory_space<hbm>> -> memref<16x1024xf32, #tpu.memory_space<hbm>>
    %dma_start3A_13 = arith.constant 0 : i32
    %dma_start3A_14 = arith.constant 0 : i32
    %dma_start3A_15 = tpu.memref_slice %arg5[%dma_start3A_5, %dma_start3A_13, %dma_start3A_14] : memref<2x16x1024xf32, #tpu.memory_space<vmem>> -> memref<1x16x1024xf32, #tpu.memory_space<vmem>>
    %dma_start3A_16 = tpu.memref_squeeze %dma_start3A_15 : memref<1x16x1024xf32, #tpu.memory_space<vmem>> -> memref<16x1024xf32, #tpu.memory_space<vmem>>
    %dma_start3A_17 = arith.constant 0 : i32
    %dma_start3A_18 = tpu.memref_slice %arg2[%dma_start3A, %add3A_4, %dma_start3A_17] : memref<4x4096x1024xf32, #tpu.memory_space<hbm>> -> memref<1x16x1024xf32, #tpu.memory_space<hbm>>
    %dma_start3A_19 = tpu.memref_squeeze %dma_start3A_18 : memref<1x16x1024xf32, #tpu.memory_space<hbm>> -> memref<16x1024xf32, #tpu.memory_space<hbm>>
    tpu.enqueue_dma source(%dma_start3A_19 : memref<16x1024xf32, #tpu.memory_space<hbm>>) target(%dma_start3A_16 : memref<16x1024xf32, #tpu.memory_space<vmem>>) target_semaphore(%arg8 : memref<!tpu.dma_semaphore, #tpu.memory_space<semaphore_mem>>)
    "tpu.region"() ({
      %run_scoped3A = tpu.sem_alloc : memref<!tpu.dma_semaphore, #tpu.memory_space<semaphore_mem>>
      %dma_start3A_60 = arith.constant 0 : i32
      %dma_start3A_61 = tpu.memref_slice %arg3[%mul3A_2, %dma_start3A_60] : memref<8192x1024xf32, #tpu.memory_space<hbm>> -> memref<16x1024xf32, #tpu.memory_space<hbm>>
      %dma_start3A_62 = arith.constant 0 : i32
      %dma_start3A_63 = tpu.memref_slice %arg3[%mul3A_2, %dma_start3A_62] : memref<8192x1024xf32, #tpu.memory_space<hbm>> -> memref<16x1024xf32, #tpu.memory_space<hbm>>
      tpu.enqueue_dma source(%dma_start3A_63 : memref<16x1024xf32, #tpu.memory_space<hbm>>) target(%arg7 : memref<16x1024xf32, #tpu.memory_space<vmem>>) target_semaphore(%run_scoped3A : memref<!tpu.dma_semaphore, #tpu.memory_space<semaphore_mem>>)
      %dma_wait3A_64 = arith.constant 0 : i32
      %dma_wait3A_65 = tpu.memref_slice %arg3[%mul3A_2, %dma_wait3A_64] : memref<8192x1024xf32, #tpu.memory_space<hbm>> -> memref<16x1024xf32, #tpu.memory_space<hbm>>
      %dma_wait3A_66 = arith.constant 0 : i32
      %dma_wait3A_67 = tpu.memref_slice %arg3[%mul3A_2, %dma_wait3A_66] : memref<8192x1024xf32, #tpu.memory_space<hbm>> -> memref<16x1024xf32, #tpu.memory_space<hbm>>
      tpu.wait_dma2 semaphore(%run_scoped3A : memref<!tpu.dma_semaphore, #tpu.memory_space<semaphore_mem>>) src(%dma_wait3A_67 : memref<16x1024xf32, #tpu.memory_space<hbm>>) dst(%arg7 : memref<16x1024xf32, #tpu.memory_space<vmem>>)
      tpu.yield
    }) : () -> ()
    %scan3A = arith.constant 0 : i32
    %scan3A_20 = arith.constant 0 : i32
    %scan3A_21 = arith.constant 16 : i32
    %scan3A_22 = arith.addi %scan3A_20, %scan3A_21 : i32
    %scan3A_23 = arith.constant 1 : i32
    scf.for %scan3A_60 = %scan3A_20 to %scan3A_22 step %scan3A_23  : i32 {
      %mul3A_61 = arith.constant 2 : i32
      %mul3A_62 = arith.muli %mul3A_61, %scan3A_60 : i32
      %gt3A = arith.constant 0 : i32
      %gt3A_63 = arith.cmpi sgt, %mul3A_62, %gt3A : i32
      %jit3A = arith.constant 4 : i32
      %eq3A = arith.constant 0 : i32
      %eq3A_64 = arith.cmpi eq, %jit3A, %eq3A : i32
      %jit3A_65 = arith.constant 1 : i32
      %select_n3A = arith.select %eq3A_64, %jit3A_65, %jit3A : i32
      %rem3A = arith.remsi %mul3A_62, %select_n3A : i32
      %ne3A = arith.constant 0 : i32
      %ne3A_66 = arith.cmpi ne, %rem3A, %ne3A : i32
      %lt3A = arith.constant 0 : i32
      %lt3A_67 = arith.cmpi slt, %rem3A, %lt3A : i32
      %lt3A_68 = arith.constant 0 : i32
      %lt3A_69 = arith.cmpi slt, %select_n3A, %lt3A_68 : i32
      %ne3A_70 = arith.xori %lt3A_67, %lt3A_69 : i1
      %and3A = arith.andi %ne3A_70, %ne3A_66 : i1
      %add3A_71 = arith.addi %rem3A, %select_n3A : i32
      %select_n3A_72 = arith.select %and3A, %add3A_71, %rem3A : i32
      %eq3A_73 = arith.constant 0 : i32
      %eq3A_74 = arith.cmpi eq, %select_n3A_72, %eq3A_73 : i32
      %and3A_75 = arith.andi %gt3A_63, %eq3A_74 : i1
      %convert_element_type3A = arith.extui %and3A_75 : i1 to i32
      %cond3A = arith.constant 0 : i32
      %cond3A_76 = arith.cmpi ne, %convert_element_type3A, %cond3A : i32
      scf.if %cond3A_76 {
        %jit3A_282 = arith.constant 4 : i32
        %div3A_283 = arith.divsi %mul3A_62, %jit3A_282 : i32
        %sign3A_284 = arith.constant 0 : i32
        %sign3A_285 = arith.cmpi sgt, %mul3A_62, %sign3A_284 : i32
        %sign3A_286 = arith.extui %sign3A_285 : i1 to i32
        %sign3A_287 = arith.constant 0 : i32
        %sign3A_288 = arith.cmpi slt, %mul3A_62, %sign3A_287 : i32
        %sign3A_289 = arith.extui %sign3A_288 : i1 to i32
        %sign3A_290 = arith.subi %sign3A_286, %sign3A_289 : i32
        %sign3A_291 = arith.constant 0 : i32
        %sign3A_292 = arith.cmpi sgt, %jit3A_282, %sign3A_291 : i32
        %sign3A_293 = arith.extui %sign3A_292 : i1 to i32
        %sign3A_294 = arith.constant 0 : i32
        %sign3A_295 = arith.cmpi slt, %jit3A_282, %sign3A_294 : i32
        %sign3A_296 = arith.extui %sign3A_295 : i1 to i32
        %sign3A_297 = arith.subi %sign3A_293, %sign3A_296 : i32
        %ne3A_298 = arith.cmpi ne, %sign3A_290, %sign3A_297 : i32
        %rem3A_299 = arith.remsi %mul3A_62, %jit3A_282 : i32
        %ne3A_300 = arith.constant 0 : i32
        %ne3A_301 = arith.cmpi ne, %rem3A_299, %ne3A_300 : i32
        %and3A_302 = arith.andi %ne3A_298, %ne3A_301 : i1
        %sub3A_303 = arith.constant 1 : i32
        %sub3A_304 = arith.subi %div3A_283, %sub3A_303 : i32
        %select_n3A_305 = arith.select %and3A_302, %sub3A_304, %div3A_283 : i32
        %mul3A_306 = arith.constant 16 : i32
        %mul3A_307 = arith.muli %select_n3A_305, %mul3A_306 : i32
        %add3A_308 = arith.addi %mul3A_2, %mul3A_307 : i32
        "tpu.region"() ({
          %run_scoped3A = tpu.sem_alloc : memref<!tpu.dma_semaphore, #tpu.memory_space<semaphore_mem>>
          %dma_start3A_309 = arith.constant 0 : i32
          %dma_start3A_310 = tpu.memref_slice %arg3[%add3A_308, %dma_start3A_309] : memref<8192x1024xf32, #tpu.memory_space<hbm>> -> memref<16x1024xf32, #tpu.memory_space<hbm>>
          %dma_start3A_311 = arith.constant 0 : i32
          %dma_start3A_312 = tpu.memref_slice %arg3[%add3A_308, %dma_start3A_311] : memref<8192x1024xf32, #tpu.memory_space<hbm>> -> memref<16x1024xf32, #tpu.memory_space<hbm>>
          tpu.enqueue_dma source(%dma_start3A_312 : memref<16x1024xf32, #tpu.memory_space<hbm>>) target(%arg7 : memref<16x1024xf32, #tpu.memory_space<vmem>>) target_semaphore(%run_scoped3A : memref<!tpu.dma_semaphore, #tpu.memory_space<semaphore_mem>>)
          %dma_wait3A_313 = arith.constant 0 : i32
          %dma_wait3A_314 = tpu.memref_slice %arg3[%add3A_308, %dma_wait3A_313] : memref<8192x1024xf32, #tpu.memory_space<hbm>> -> memref<16x1024xf32, #tpu.memory_space<hbm>>
          %dma_wait3A_315 = arith.constant 0 : i32
          %dma_wait3A_316 = tpu.memref_slice %arg3[%add3A_308, %dma_wait3A_315] : memref<8192x1024xf32, #tpu.memory_space<hbm>> -> memref<16x1024xf32, #tpu.memory_space<hbm>>
          tpu.wait_dma2 semaphore(%run_scoped3A : memref<!tpu.dma_semaphore, #tpu.memory_space<semaphore_mem>>) src(%dma_wait3A_316 : memref<16x1024xf32, #tpu.memory_space<hbm>>) dst(%arg7 : memref<16x1024xf32, #tpu.memory_space<vmem>>)
          tpu.yield
        }) : () -> ()
      } else {
      }
      %add3A_77 = arith.constant 1 : i32
      %add3A_78 = arith.addi %mul3A_62, %add3A_77 : i32
      %lt3A_79 = arith.constant 32 : i32
      %lt3A_80 = arith.cmpi slt, %add3A_78, %lt3A_79 : i32
      %convert_element_type3A_81 = arith.extui %lt3A_80 : i1 to i32
      %cond3A_82 = arith.constant 0 : i32
      %cond3A_83 = arith.cmpi ne, %convert_element_type3A_81, %cond3A_82 : i32
      scf.if %cond3A_83 {
        %add3A_282 = arith.constant 1 : i32
        %add3A_283 = arith.addi %mul3A_62, %add3A_282 : i32
        %jit3A_284 = arith.constant 4 : i32
        %eq3A_285 = arith.constant 0 : i32
        %eq3A_286 = arith.cmpi eq, %jit3A_284, %eq3A_285 : i32
        %jit3A_287 = arith.constant 1 : i32
        %select_n3A_288 = arith.select %eq3A_286, %jit3A_287, %jit3A_284 : i32
        %rem3A_289 = arith.remsi %add3A_283, %select_n3A_288 : i32
        %ne3A_290 = arith.constant 0 : i32
        %ne3A_291 = arith.cmpi ne, %rem3A_289, %ne3A_290 : i32
        %lt3A_292 = arith.constant 0 : i32
        %lt3A_293 = arith.cmpi slt, %rem3A_289, %lt3A_292 : i32
        %lt3A_294 = arith.constant 0 : i32
        %lt3A_295 = arith.cmpi slt, %select_n3A_288, %lt3A_294 : i32
        %ne3A_296 = arith.xori %lt3A_293, %lt3A_295 : i1
        %and3A_297 = arith.andi %ne3A_296, %ne3A_291 : i1
        %add3A_298 = arith.addi %rem3A_289, %select_n3A_288 : i32
        %select_n3A_299 = arith.select %and3A_297, %add3A_298, %rem3A_289 : i32
        %jit3A_300 = arith.constant 4 : i32
        %div3A_301 = arith.divsi %add3A_283, %jit3A_300 : i32
        %sign3A_302 = arith.constant 0 : i32
        %sign3A_303 = arith.cmpi sgt, %add3A_283, %sign3A_302 : i32
        %sign3A_304 = arith.extui %sign3A_303 : i1 to i32
        %sign3A_305 = arith.constant 0 : i32
        %sign3A_306 = arith.cmpi slt, %add3A_283, %sign3A_305 : i32
        %sign3A_307 = arith.extui %sign3A_306 : i1 to i32
        %sign3A_308 = arith.subi %sign3A_304, %sign3A_307 : i32
        %sign3A_309 = arith.constant 0 : i32
        %sign3A_310 = arith.cmpi sgt, %jit3A_300, %sign3A_309 : i32
        %sign3A_311 = arith.extui %sign3A_310 : i1 to i32
        %sign3A_312 = arith.constant 0 : i32
        %sign3A_313 = arith.cmpi slt, %jit3A_300, %sign3A_312 : i32
        %sign3A_314 = arith.extui %sign3A_313 : i1 to i32
        %sign3A_315 = arith.subi %sign3A_311, %sign3A_314 : i32
        %ne3A_316 = arith.cmpi ne, %sign3A_308, %sign3A_315 : i32
        %rem3A_317 = arith.remsi %add3A_283, %jit3A_300 : i32
        %ne3A_318 = arith.constant 0 : i32
        %ne3A_319 = arith.cmpi ne, %rem3A_317, %ne3A_318 : i32
        %and3A_320 = arith.andi %ne3A_316, %ne3A_319 : i1
        %sub3A_321 = arith.constant 1 : i32
        %sub3A_322 = arith.subi %div3A_301, %sub3A_321 : i32
        %select_n3A_323 = arith.select %and3A_320, %sub3A_322, %div3A_301 : i32
        %mul3A_324 = arith.constant 16 : i32
        %mul3A_325 = arith.muli %select_n3A_323, %mul3A_324 : i32
        %add3A_326 = arith.addi %mul3A_2, %mul3A_325 : i32
        %dma_start3A_327 = arith.constant 1 : i32
        %dma_start3A_328 = arith.constant 0 : i32
        %dma_start3A_329 = arith.constant 0 : i32
        %dma_start3A_330 = tpu.memref_slice %arg5[%dma_start3A_327, %dma_start3A_328, %dma_start3A_329] : memref<2x16x1024xf32, #tpu.memory_space<vmem>> -> memref<1x16x1024xf32, #tpu.memory_space<vmem>>
        %dma_start3A_331 = tpu.memref_squeeze %dma_start3A_330 : memref<1x16x1024xf32, #tpu.memory_space<vmem>> -> memref<16x1024xf32, #tpu.memory_space<vmem>>
        %dma_start3A_332 = arith.constant 0 : i32
        %dma_start3A_333 = tpu.memref_slice %arg2[%select_n3A_299, %add3A_326, %dma_start3A_332] : memref<4x4096x1024xf32, #tpu.memory_space<hbm>> -> memref<1x16x1024xf32, #tpu.memory_space<hbm>>
        %dma_start3A_334 = tpu.memref_squeeze %dma_start3A_333 : memref<1x16x1024xf32, #tpu.memory_space<hbm>> -> memref<16x1024xf32, #tpu.memory_space<hbm>>
        %dma_start3A_335 = arith.constant 0 : i32
        %dma_start3A_336 = arith.constant 0 : i32
        %dma_start3A_337 = tpu.memref_slice %arg5[%dma_start3A_327, %dma_start3A_335, %dma_start3A_336] : memref<2x16x1024xf32, #tpu.memory_space<vmem>> -> memref<1x16x1024xf32, #tpu.memory_space<vmem>>
        %dma_start3A_338 = tpu.memref_squeeze %dma_start3A_337 : memref<1x16x1024xf32, #tpu.memory_space<vmem>> -> memref<16x1024xf32, #tpu.memory_space<vmem>>
        %dma_start3A_339 = arith.constant 0 : i32
        %dma_start3A_340 = tpu.memref_slice %arg2[%select_n3A_299, %add3A_326, %dma_start3A_339] : memref<4x4096x1024xf32, #tpu.memory_space<hbm>> -> memref<1x16x1024xf32, #tpu.memory_space<hbm>>
        %dma_start3A_341 = tpu.memref_squeeze %dma_start3A_340 : memref<1x16x1024xf32, #tpu.memory_space<hbm>> -> memref<16x1024xf32, #tpu.memory_space<hbm>>
        tpu.enqueue_dma source(%dma_start3A_341 : memref<16x1024xf32, #tpu.memory_space<hbm>>) target(%dma_start3A_338 : memref<16x1024xf32, #tpu.memory_space<vmem>>) target_semaphore(%arg9 : memref<!tpu.dma_semaphore, #tpu.memory_space<semaphore_mem>>)
      } else {
      }
      %dma_wait3A_84 = arith.constant 0 : i32
      %dma_wait3A_85 = arith.constant 0 : i32
      %dma_wait3A_86 = arith.constant 0 : i32
      %dma_wait3A_87 = arith.constant 0 : i32
      %dma_wait3A_88 = tpu.memref_slice %arg5[%dma_wait3A_85, %dma_wait3A_86, %dma_wait3A_87] : memref<2x16x1024xf32, #tpu.memory_space<vmem>> -> memref<1x16x1024xf32, #tpu.memory_space<vmem>>
      %dma_wait3A_89 = tpu.memref_squeeze %dma_wait3A_88 : memref<1x16x1024xf32, #tpu.memory_space<vmem>> -> memref<16x1024xf32, #tpu.memory_space<vmem>>
      %dma_wait3A_90 = arith.constant 0 : i32
      %dma_wait3A_91 = arith.constant 0 : i32
      %dma_wait3A_92 = tpu.memref_slice %arg2[%dma_wait3A_84, %dma_wait3A_90, %dma_wait3A_91] : memref<4x4096x1024xf32, #tpu.memory_space<hbm>> -> memref<1x16x1024xf32, #tpu.memory_space<hbm>>
      %dma_wait3A_93 = tpu.memref_squeeze %dma_wait3A_92 : memref<1x16x1024xf32, #tpu.memory_space<hbm>> -> memref<16x1024xf32, #tpu.memory_space<hbm>>
      %dma_wait3A_94 = arith.constant 0 : i32
      %dma_wait3A_95 = arith.constant 0 : i32
      %dma_wait3A_96 = tpu.memref_slice %arg5[%dma_wait3A_85, %dma_wait3A_94, %dma_wait3A_95] : memref<2x16x1024xf32, #tpu.memory_space<vmem>> -> memref<1x16x1024xf32, #tpu.memory_space<vmem>>
      %dma_wait3A_97 = tpu.memref_squeeze %dma_wait3A_96 : memref<1x16x1024xf32, #tpu.memory_space<vmem>> -> memref<16x1024xf32, #tpu.memory_space<vmem>>
      %dma_wait3A_98 = arith.constant 0 : i32
      %dma_wait3A_99 = arith.constant 0 : i32
      %dma_wait3A_100 = tpu.memref_slice %arg2[%dma_wait3A_84, %dma_wait3A_98, %dma_wait3A_99] : memref<4x4096x1024xf32, #tpu.memory_space<hbm>> -> memref<1x16x1024xf32, #tpu.memory_space<hbm>>
      %dma_wait3A_101 = tpu.memref_squeeze %dma_wait3A_100 : memref<1x16x1024xf32, #tpu.memory_space<hbm>> -> memref<16x1024xf32, #tpu.memory_space<hbm>>
      tpu.wait_dma2 semaphore(%arg8 : memref<!tpu.dma_semaphore, #tpu.memory_space<semaphore_mem>>) src(%dma_wait3A_101 : memref<16x1024xf32, #tpu.memory_space<hbm>>) dst(%dma_wait3A_97 : memref<16x1024xf32, #tpu.memory_space<vmem>>)
      %ge3A = arith.constant 2 : i32
      %ge3A_102 = arith.cmpi sge, %mul3A_62, %ge3A : i32
      %convert_element_type3A_103 = arith.extui %ge3A_102 : i1 to i32
      %cond3A_104 = arith.constant 0 : i32
      %cond3A_105 = arith.cmpi ne, %convert_element_type3A_103, %cond3A_104 : i32
      scf.if %cond3A_105 {
        %dma_wait3A_282 = arith.constant 0 : i32
        %dma_wait3A_283 = arith.constant 0 : i32
        %dma_wait3A_284 = arith.constant 0 : i32
        %dma_wait3A_285 = arith.constant 0 : i32
        %dma_wait3A_286 = tpu.memref_slice %arg6[%dma_wait3A_282, %dma_wait3A_284, %dma_wait3A_285] : memref<2x16x1024xf32, #tpu.memory_space<vmem>> -> memref<1x16x1024xf32, #tpu.memory_space<vmem>>
        %dma_wait3A_287 = tpu.memref_squeeze %dma_wait3A_286 : memref<1x16x1024xf32, #tpu.memory_space<vmem>> -> memref<16x1024xf32, #tpu.memory_space<vmem>>
        %dma_wait3A_288 = arith.constant 0 : i32
        %dma_wait3A_289 = arith.constant 0 : i32
        %dma_wait3A_290 = tpu.memref_slice %arg4[%dma_wait3A_283, %dma_wait3A_288, %dma_wait3A_289] : memref<4x4096x1024xf32, #tpu.memory_space<hbm>> -> memref<1x16x1024xf32, #tpu.memory_space<hbm>>
        %dma_wait3A_291 = tpu.memref_squeeze %dma_wait3A_290 : memref<1x16x1024xf32, #tpu.memory_space<hbm>> -> memref<16x1024xf32, #tpu.memory_space<hbm>>
        %dma_wait3A_292 = arith.constant 0 : i32
        %dma_wait3A_293 = arith.constant 0 : i32
        %dma_wait3A_294 = tpu.memref_slice %arg4[%dma_wait3A_283, %dma_wait3A_292, %dma_wait3A_293] : memref<4x4096x1024xf32, #tpu.memory_space<hbm>> -> memref<1x16x1024xf32, #tpu.memory_space<hbm>>
        %dma_wait3A_295 = tpu.memref_squeeze %dma_wait3A_294 : memref<1x16x1024xf32, #tpu.memory_space<hbm>> -> memref<16x1024xf32, #tpu.memory_space<hbm>>
        %dma_wait3A_296 = arith.constant 0 : i32
        %dma_wait3A_297 = arith.constant 0 : i32
        %dma_wait3A_298 = tpu.memref_slice %arg6[%dma_wait3A_282, %dma_wait3A_296, %dma_wait3A_297] : memref<2x16x1024xf32, #tpu.memory_space<vmem>> -> memref<1x16x1024xf32, #tpu.memory_space<vmem>>
        %dma_wait3A_299 = tpu.memref_squeeze %dma_wait3A_298 : memref<1x16x1024xf32, #tpu.memory_space<vmem>> -> memref<16x1024xf32, #tpu.memory_space<vmem>>
        tpu.wait_dma2 semaphore(%arg10 : memref<!tpu.dma_semaphore, #tpu.memory_space<semaphore_mem>>) src(%dma_wait3A_299 : memref<16x1024xf32, #tpu.memory_space<vmem>>) dst(%dma_wait3A_295 : memref<16x1024xf32, #tpu.memory_space<hbm>>)
      } else {
      }
      %parallel_loop3A = arith.constant 0 : i32
      %parallel_loop3A_106 = arith.constant 1024 : i32
      %parallel_loop3A_107 = arith.constant 1 : i32
      scf.for %parallel_loop3A_282 = %parallel_loop3A to %parallel_loop3A_106 step %parallel_loop3A_107  : i32 {
        %parallel_loop3A_283 = arith.constant 64 : i32
        %parallel_loop3A_284 = arith.divsi %parallel_loop3A_282, %parallel_loop3A_283 : i32
        %parallel_loop3A_285 = arith.constant 0 : i32
        %parallel_loop3A_286 = arith.cmpi sgt, %parallel_loop3A_282, %parallel_loop3A_285 : i32
        %parallel_loop3A_287 = arith.extui %parallel_loop3A_286 : i1 to i32
        %parallel_loop3A_288 = arith.constant 0 : i32
        %parallel_loop3A_289 = arith.cmpi slt, %parallel_loop3A_282, %parallel_loop3A_288 : i32
        %parallel_loop3A_290 = arith.extui %parallel_loop3A_289 : i1 to i32
        %parallel_loop3A_291 = arith.subi %parallel_loop3A_287, %parallel_loop3A_290 : i32
        %parallel_loop3A_292 = arith.constant 0 : i32
        %parallel_loop3A_293 = arith.cmpi sgt, %parallel_loop3A_283, %parallel_loop3A_292 : i32
        %parallel_loop3A_294 = arith.extui %parallel_loop3A_293 : i1 to i32
        %parallel_loop3A_295 = arith.constant 0 : i32
        %parallel_loop3A_296 = arith.cmpi slt, %parallel_loop3A_283, %parallel_loop3A_295 : i32
        %parallel_loop3A_297 = arith.extui %parallel_loop3A_296 : i1 to i32
        %parallel_loop3A_298 = arith.subi %parallel_loop3A_294, %parallel_loop3A_297 : i32
        %parallel_loop3A_299 = arith.cmpi ne, %parallel_loop3A_291, %parallel_loop3A_298 : i32
        %parallel_loop3A_300 = arith.remsi %parallel_loop3A_282, %parallel_loop3A_283 : i32
        %parallel_loop3A_301 = arith.constant 0 : i32
        %parallel_loop3A_302 = arith.cmpi ne, %parallel_loop3A_300, %parallel_loop3A_301 : i32
        %parallel_loop3A_303 = arith.andi %parallel_loop3A_299, %parallel_loop3A_302 : i1
        %parallel_loop3A_304 = arith.constant 1 : i32
        %parallel_loop3A_305 = arith.subi %parallel_loop3A_284, %parallel_loop3A_304 : i32
        %parallel_loop3A_306 = arith.select %parallel_loop3A_303, %parallel_loop3A_305, %parallel_loop3A_284 : i32
        %parallel_loop3A_307 = arith.constant 64 : i32
        %parallel_loop3A_308 = arith.constant 0 : i32
        %parallel_loop3A_309 = arith.cmpi eq, %parallel_loop3A_307, %parallel_loop3A_308 : i32
        %parallel_loop3A_310 = arith.constant 1 : i32
        %parallel_loop3A_311 = arith.select %parallel_loop3A_309, %parallel_loop3A_310, %parallel_loop3A_307 : i32
        %parallel_loop3A_312 = arith.remsi %parallel_loop3A_282, %parallel_loop3A_311 : i32
        %parallel_loop3A_313 = arith.constant 0 : i32
        %parallel_loop3A_314 = arith.cmpi ne, %parallel_loop3A_312, %parallel_loop3A_313 : i32
        %parallel_loop3A_315 = arith.constant 0 : i32
        %parallel_loop3A_316 = arith.cmpi slt, %parallel_loop3A_312, %parallel_loop3A_315 : i32
        %parallel_loop3A_317 = arith.constant 0 : i32
        %parallel_loop3A_318 = arith.cmpi slt, %parallel_loop3A_311, %parallel_loop3A_317 : i32
        %parallel_loop3A_319 = arith.xori %parallel_loop3A_316, %parallel_loop3A_318 : i1
        %parallel_loop3A_320 = arith.andi %parallel_loop3A_319, %parallel_loop3A_314 : i1
        %parallel_loop3A_321 = arith.addi %parallel_loop3A_312, %parallel_loop3A_311 : i32
        %parallel_loop3A_322 = arith.select %parallel_loop3A_320, %parallel_loop3A_321, %parallel_loop3A_312 : i32
        %parallel_loop3A_323 = arith.constant 16 : i32
        %parallel_loop3A_324 = arith.muli %parallel_loop3A_322, %parallel_loop3A_323 : i32
        %parallel_loop3A_325 = arith.constant 0 : i32
        %parallel_loop3A_326 = arith.index_cast %parallel_loop3A_325 : i32 to index
        %parallel_loop3A_327 = arith.index_cast %parallel_loop3A_306 : i32 to index
        %parallel_loop3A_328 = arith.index_cast %parallel_loop3A_324 : i32 to index
        %parallel_loop3A_329 = tpu.vector_load %arg5[%parallel_loop3A_326, %parallel_loop3A_327, %parallel_loop3A_328] {strides = array<i32>} : memref<2x16x1024xf32, #tpu.memory_space<vmem>>, vector<1x1x16xf32>,
        %parallel_loop3A_330 = vector.shape_cast %parallel_loop3A_329 : vector<1x1x16xf32> to vector<16xf32>
        %parallel_loop3A_331 = arith.index_cast %parallel_loop3A_306 : i32 to index
        %parallel_loop3A_332 = arith.index_cast %parallel_loop3A_324 : i32 to index
        %parallel_loop3A_333 = tpu.vector_load %arg7[%parallel_loop3A_331, %parallel_loop3A_332] {strides = array<i32>} : memref<16x1024xf32, #tpu.memory_space<vmem>>, vector<1x16xf32>,
        %parallel_loop3A_334 = vector.shape_cast %parallel_loop3A_333 : vector<1x16xf32> to vector<16xf32>
        %parallel_loop3A_335 = arith.addf %parallel_loop3A_330, %parallel_loop3A_334 : vector<16xf32>
        %parallel_loop3A_336 = arith.constant 0 : i32
        %parallel_loop3A_337 = arith.index_cast %parallel_loop3A_336 : i32 to index
        %parallel_loop3A_338 = arith.index_cast %parallel_loop3A_306 : i32 to index
        %parallel_loop3A_339 = arith.index_cast %parallel_loop3A_324 : i32 to index
        %parallel_loop3A_340 = tpu.vector_load %arg6[%parallel_loop3A_337, %parallel_loop3A_338, %parallel_loop3A_339] {strides = array<i32>} : memref<2x16x1024xf32, #tpu.memory_space<vmem>>, vector<1x1x16xf32>,
        %parallel_loop3A_341 = vector.shape_cast %parallel_loop3A_340 : vector<1x1x16xf32> to vector<16xf32>
        %parallel_loop3A_342 = vector.shape_cast %parallel_loop3A_335 : vector<16xf32> to vector<1x1x16xf32>
        tpu.vector_store %arg6[%parallel_loop3A_337, %parallel_loop3A_338, %parallel_loop3A_339], %parallel_loop3A_342 {strides = array<i32>} : memref<2x16x1024xf32, #tpu.memory_space<vmem>>, vector<1x1x16xf32>,
      } {sc.loop_unroll_factor = 8 : i64, sc.parallel_access}
      %jit3A_108 = arith.constant 4 : i32
      %eq3A_109 = arith.constant 0 : i32
      %eq3A_110 = arith.cmpi eq, %jit3A_108, %eq3A_109 : i32
      %jit3A_111 = arith.constant 1 : i32
      %select_n3A_112 = arith.select %eq3A_110, %jit3A_111, %jit3A_108 : i32
      %rem3A_113 = arith.remsi %mul3A_62, %select_n3A_112 : i32
      %ne3A_114 = arith.constant 0 : i32
      %ne3A_115 = arith.cmpi ne, %rem3A_113, %ne3A_114 : i32
      %lt3A_116 = arith.constant 0 : i32
      %lt3A_117 = arith.cmpi slt, %rem3A_113, %lt3A_116 : i32
      %lt3A_118 = arith.constant 0 : i32
      %lt3A_119 = arith.cmpi slt, %select_n3A_112, %lt3A_118 : i32
      %ne3A_120 = arith.xori %lt3A_117, %lt3A_119 : i1
      %and3A_121 = arith.andi %ne3A_120, %ne3A_115 : i1
      %add3A_122 = arith.addi %rem3A_113, %select_n3A_112 : i32
      %select_n3A_123 = arith.select %and3A_121, %add3A_122, %rem3A_113 : i32
      %jit3A_124 = arith.constant 4 : i32
      %div3A = arith.divsi %mul3A_62, %jit3A_124 : i32
      %sign3A = arith.constant 0 : i32
      %sign3A_125 = arith.cmpi sgt, %mul3A_62, %sign3A : i32
      %sign3A_126 = arith.extui %sign3A_125 : i1 to i32
      %sign3A_127 = arith.constant 0 : i32
      %sign3A_128 = arith.cmpi slt, %mul3A_62, %sign3A_127 : i32
      %sign3A_129 = arith.extui %sign3A_128 : i1 to i32
      %sign3A_130 = arith.subi %sign3A_126, %sign3A_129 : i32
      %sign3A_131 = arith.constant 0 : i32
      %sign3A_132 = arith.cmpi sgt, %jit3A_124, %sign3A_131 : i32
      %sign3A_133 = arith.extui %sign3A_132 : i1 to i32
      %sign3A_134 = arith.constant 0 : i32
      %sign3A_135 = arith.cmpi slt, %jit3A_124, %sign3A_134 : i32
      %sign3A_136 = arith.extui %sign3A_135 : i1 to i32
      %sign3A_137 = arith.subi %sign3A_133, %sign3A_136 : i32
      %ne3A_138 = arith.cmpi ne, %sign3A_130, %sign3A_137 : i32
      %rem3A_139 = arith.remsi %mul3A_62, %jit3A_124 : i32
      %ne3A_140 = arith.constant 0 : i32
      %ne3A_141 = arith.cmpi ne, %rem3A_139, %ne3A_140 : i32
      %and3A_142 = arith.andi %ne3A_138, %ne3A_141 : i1
      %sub3A = arith.constant 1 : i32
      %sub3A_143 = arith.subi %div3A, %sub3A : i32
      %select_n3A_144 = arith.select %and3A_142, %sub3A_143, %div3A : i32
      %mul3A_145 = arith.constant 16 : i32
      %mul3A_146 = arith.muli %select_n3A_144, %mul3A_145 : i32
      %add3A_147 = arith.addi %mul3A_2, %mul3A_146 : i32
      %dma_start3A_148 = arith.constant 0 : i32
      %dma_start3A_149 = arith.constant 0 : i32
      %dma_start3A_150 = arith.constant 0 : i32
      %dma_start3A_151 = tpu.memref_slice %arg6[%dma_start3A_148, %dma_start3A_149, %dma_start3A_150] : memref<2x16x1024xf32, #tpu.memory_space<vmem>> -> memref<1x16x1024xf32, #tpu.memory_space<vmem>>
      %dma_start3A_152 = tpu.memref_squeeze %dma_start3A_151 : memref<1x16x1024xf32, #tpu.memory_space<vmem>> -> memref<16x1024xf32, #tpu.memory_space<vmem>>
      %dma_start3A_153 = arith.constant 0 : i32
      %dma_start3A_154 = tpu.memref_slice %arg4[%select_n3A_123, %add3A_147, %dma_start3A_153] : memref<4x4096x1024xf32, #tpu.memory_space<hbm>> -> memref<1x16x1024xf32, #tpu.memory_space<hbm>>
      %dma_start3A_155 = tpu.memref_squeeze %dma_start3A_154 : memref<1x16x1024xf32, #tpu.memory_space<hbm>> -> memref<16x1024xf32, #tpu.memory_space<hbm>>
      %dma_start3A_156 = arith.constant 0 : i32
      %dma_start3A_157 = tpu.memref_slice %arg4[%select_n3A_123, %add3A_147, %dma_start3A_156] : memref<4x4096x1024xf32, #tpu.memory_space<hbm>> -> memref<1x16x1024xf32, #tpu.memory_space<hbm>>
      %dma_start3A_158 = tpu.memref_squeeze %dma_start3A_157 : memref<1x16x1024xf32, #tpu.memory_space<hbm>> -> memref<16x1024xf32, #tpu.memory_space<hbm>>
      %dma_start3A_159 = arith.constant 0 : i32
      %dma_start3A_160 = arith.constant 0 : i32
      %dma_start3A_161 = tpu.memref_slice %arg6[%dma_start3A_148, %dma_start3A_159, %dma_start3A_160] : memref<2x16x1024xf32, #tpu.memory_space<vmem>> -> memref<1x16x1024xf32, #tpu.memory_space<vmem>>
      %dma_start3A_162 = tpu.memref_squeeze %dma_start3A_161 : memref<1x16x1024xf32, #tpu.memory_space<vmem>> -> memref<16x1024xf32, #tpu.memory_space<vmem>>
      tpu.enqueue_dma source(%dma_start3A_162 : memref<16x1024xf32, #tpu.memory_space<vmem>>) target(%dma_start3A_158 : memref<16x1024xf32, #tpu.memory_space<hbm>>) target_semaphore(%arg10 : memref<!tpu.dma_semaphore, #tpu.memory_space<semaphore_mem>>)
      %mul3A_163 = arith.constant 2 : i32
      %mul3A_164 = arith.muli %mul3A_163, %scan3A_60 : i32
      %add3A_165 = arith.constant 1 : i32
      %add3A_166 = arith.addi %mul3A_164, %add3A_165 : i32
      %gt3A_167 = arith.constant 0 : i32
      %gt3A_168 = arith.cmpi sgt, %add3A_166, %gt3A_167 : i32
      %jit3A_169 = arith.constant 4 : i32
      %eq3A_170 = arith.constant 0 : i32
      %eq3A_171 = arith.cmpi eq, %jit3A_169, %eq3A_170 : i32
      %jit3A_172 = arith.constant 1 : i32
      %select_n3A_173 = arith.select %eq3A_171, %jit3A_172, %jit3A_169 : i32
      %rem3A_174 = arith.remsi %add3A_166, %select_n3A_173 : i32
      %ne3A_175 = arith.constant 0 : i32
      %ne3A_176 = arith.cmpi ne, %rem3A_174, %ne3A_175 : i32
      %lt3A_177 = arith.constant 0 : i32
      %lt3A_178 = arith.cmpi slt, %rem3A_174, %lt3A_177 : i32
      %lt3A_179 = arith.constant 0 : i32
      %lt3A_180 = arith.cmpi slt, %select_n3A_173, %lt3A_179 : i32
      %ne3A_181 = arith.xori %lt3A_178, %lt3A_180 : i1
      %and3A_182 = arith.andi %ne3A_181, %ne3A_176 : i1
      %add3A_183 = arith.addi %rem3A_174, %select_n3A_173 : i32
      %select_n3A_184 = arith.select %and3A_182, %add3A_183, %rem3A_174 : i32
      %eq3A_185 = arith.constant 0 : i32
      %eq3A_186 = arith.cmpi eq, %select_n3A_184, %eq3A_185 : i32
      %and3A_187 = arith.andi %gt3A_168, %eq3A_186 : i1
      %convert_element_type3A_188 = arith.extui %and3A_187 : i1 to i32
      %cond3A_189 = arith.constant 0 : i32
      %cond3A_190 = arith.cmpi ne, %convert_element_type3A_188, %cond3A_189 : i32
      scf.if %cond3A_190 {
        %jit3A_282 = arith.constant 4 : i32
        %div3A_283 = arith.divsi %add3A_166, %jit3A_282 : i32
        %sign3A_284 = arith.constant 0 : i32
        %sign3A_285 = arith.cmpi sgt, %add3A_166, %sign3A_284 : i32
        %sign3A_286 = arith.extui %sign3A_285 : i1 to i32
        %sign3A_287 = arith.constant 0 : i32
        %sign3A_288 = arith.cmpi slt, %add3A_166, %sign3A_287 : i32
        %sign3A_289 = arith.extui %sign3A_288 : i1 to i32
        %sign3A_290 = arith.subi %sign3A_286, %sign3A_289 : i32
        %sign3A_291 = arith.constant 0 : i32
        %sign3A_292 = arith.cmpi sgt, %jit3A_282, %sign3A_291 : i32
        %sign3A_293 = arith.extui %sign3A_292 : i1 to i32
        %sign3A_294 = arith.constant 0 : i32
        %sign3A_295 = arith.cmpi slt, %jit3A_282, %sign3A_294 : i32
        %sign3A_296 = arith.extui %sign3A_295 : i1 to i32
        %sign3A_297 = arith.subi %sign3A_293, %sign3A_296 : i32
        %ne3A_298 = arith.cmpi ne, %sign3A_290, %sign3A_297 : i32
        %rem3A_299 = arith.remsi %add3A_166, %jit3A_282 : i32
        %ne3A_300 = arith.constant 0 : i32
        %ne3A_301 = arith.cmpi ne, %rem3A_299, %ne3A_300 : i32
        %and3A_302 = arith.andi %ne3A_298, %ne3A_301 : i1
        %sub3A_303 = arith.constant 1 : i32
        %sub3A_304 = arith.subi %div3A_283, %sub3A_303 : i32
        %select_n3A_305 = arith.select %and3A_302, %sub3A_304, %div3A_283 : i32
        %mul3A_306 = arith.constant 16 : i32
        %mul3A_307 = arith.muli %select_n3A_305, %mul3A_306 : i32
        %add3A_308 = arith.addi %mul3A_2, %mul3A_307 : i32
        "tpu.region"() ({
          %run_scoped3A = tpu.sem_alloc : memref<!tpu.dma_semaphore, #tpu.memory_space<semaphore_mem>>
          %dma_start3A_309 = arith.constant 0 : i32
          %dma_start3A_310 = tpu.memref_slice %arg3[%add3A_308, %dma_start3A_309] : memref<8192x1024xf32, #tpu.memory_space<hbm>> -> memref<16x1024xf32, #tpu.memory_space<hbm>>
          %dma_start3A_311 = arith.constant 0 : i32
          %dma_start3A_312 = tpu.memref_slice %arg3[%add3A_308, %dma_start3A_311] : memref<8192x1024xf32, #tpu.memory_space<hbm>> -> memref<16x1024xf32, #tpu.memory_space<hbm>>
          tpu.enqueue_dma source(%dma_start3A_312 : memref<16x1024xf32, #tpu.memory_space<hbm>>) target(%arg7 : memref<16x1024xf32, #tpu.memory_space<vmem>>) target_semaphore(%run_scoped3A : memref<!tpu.dma_semaphore, #tpu.memory_space<semaphore_mem>>)
          %dma_wait3A_313 = arith.constant 0 : i32
          %dma_wait3A_314 = tpu.memref_slice %arg3[%add3A_308, %dma_wait3A_313] : memref<8192x1024xf32, #tpu.memory_space<hbm>> -> memref<16x1024xf32, #tpu.memory_space<hbm>>
          %dma_wait3A_315 = arith.constant 0 : i32
          %dma_wait3A_316 = tpu.memref_slice %arg3[%add3A_308, %dma_wait3A_315] : memref<8192x1024xf32, #tpu.memory_space<hbm>> -> memref<16x1024xf32, #tpu.memory_space<hbm>>
          tpu.wait_dma2 semaphore(%run_scoped3A : memref<!tpu.dma_semaphore, #tpu.memory_space<semaphore_mem>>) src(%dma_wait3A_316 : memref<16x1024xf32, #tpu.memory_space<hbm>>) dst(%arg7 : memref<16x1024xf32, #tpu.memory_space<vmem>>)
          tpu.yield
        }) : () -> ()
      } else {
      }
      %add3A_191 = arith.constant 1 : i32
      %add3A_192 = arith.addi %add3A_166, %add3A_191 : i32
      %lt3A_193 = arith.constant 32 : i32
      %lt3A_194 = arith.cmpi slt, %add3A_192, %lt3A_193 : i32
      %convert_element_type3A_195 = arith.extui %lt3A_194 : i1 to i32
      %cond3A_196 = arith.constant 0 : i32
      %cond3A_197 = arith.cmpi ne, %convert_element_type3A_195, %cond3A_196 : i32
      scf.if %cond3A_197 {
        %add3A_282 = arith.constant 1 : i32
        %add3A_283 = arith.addi %add3A_166, %add3A_282 : i32
        %jit3A_284 = arith.constant 4 : i32
        %eq3A_285 = arith.constant 0 : i32
        %eq3A_286 = arith.cmpi eq, %jit3A_284, %eq3A_285 : i32
        %jit3A_287 = arith.constant 1 : i32
        %select_n3A_288 = arith.select %eq3A_286, %jit3A_287, %jit3A_284 : i32
        %rem3A_289 = arith.remsi %add3A_283, %select_n3A_288 : i32
        %ne3A_290 = arith.constant 0 : i32
        %ne3A_291 = arith.cmpi ne, %rem3A_289, %ne3A_290 : i32
        %lt3A_292 = arith.constant 0 : i32
        %lt3A_293 = arith.cmpi slt, %rem3A_289, %lt3A_292 : i32
        %lt3A_294 = arith.constant 0 : i32
        %lt3A_295 = arith.cmpi slt, %select_n3A_288, %lt3A_294 : i32
        %ne3A_296 = arith.xori %lt3A_293, %lt3A_295 : i1
        %and3A_297 = arith.andi %ne3A_296, %ne3A_291 : i1
        %add3A_298 = arith.addi %rem3A_289, %select_n3A_288 : i32
        %select_n3A_299 = arith.select %and3A_297, %add3A_298, %rem3A_289 : i32
        %jit3A_300 = arith.constant 4 : i32
        %div3A_301 = arith.divsi %add3A_283, %jit3A_300 : i32
        %sign3A_302 = arith.constant 0 : i32
        %sign3A_303 = arith.cmpi sgt, %add3A_283, %sign3A_302 : i32
        %sign3A_304 = arith.extui %sign3A_303 : i1 to i32
        %sign3A_305 = arith.constant 0 : i32
        %sign3A_306 = arith.cmpi slt, %add3A_283, %sign3A_305 : i32
        %sign3A_307 = arith.extui %sign3A_306 : i1 to i32
        %sign3A_308 = arith.subi %sign3A_304, %sign3A_307 : i32
        %sign3A_309 = arith.constant 0 : i32
        %sign3A_310 = arith.cmpi sgt, %jit3A_300, %sign3A_309 : i32
        %sign3A_311 = arith.extui %sign3A_310 : i1 to i32
        %sign3A_312 = arith.constant 0 : i32
        %sign3A_313 = arith.cmpi slt, %jit3A_300, %sign3A_312 : i32
        %sign3A_314 = arith.extui %sign3A_313 : i1 to i32
        %sign3A_315 = arith.subi %sign3A_311, %sign3A_314 : i32
        %ne3A_316 = arith.cmpi ne, %sign3A_308, %sign3A_315 : i32
        %rem3A_317 = arith.remsi %add3A_283, %jit3A_300 : i32
        %ne3A_318 = arith.constant 0 : i32
        %ne3A_319 = arith.cmpi ne, %rem3A_317, %ne3A_318 : i32
        %and3A_320 = arith.andi %ne3A_316, %ne3A_319 : i1
        %sub3A_321 = arith.constant 1 : i32
        %sub3A_322 = arith.subi %div3A_301, %sub3A_321 : i32
        %select_n3A_323 = arith.select %and3A_320, %sub3A_322, %div3A_301 : i32
        %mul3A_324 = arith.constant 16 : i32
        %mul3A_325 = arith.muli %select_n3A_323, %mul3A_324 : i32
        %add3A_326 = arith.addi %mul3A_2, %mul3A_325 : i32
        %dma_start3A_327 = arith.constant 0 : i32
        %dma_start3A_328 = arith.constant 0 : i32
        %dma_start3A_329 = arith.constant 0 : i32
        %dma_start3A_330 = tpu.memref_slice %arg5[%dma_start3A_327, %dma_start3A_328, %dma_start3A_329] : memref<2x16x1024xf32, #tpu.memory_space<vmem>> -> memref<1x16x1024xf32, #tpu.memory_space<vmem>>
        %dma_start3A_331 = tpu.memref_squeeze %dma_start3A_330 : memref<1x16x1024xf32, #tpu.memory_space<vmem>> -> memref<16x1024xf32, #tpu.memory_space<vmem>>
        %dma_start3A_332 = arith.constant 0 : i32
        %dma_start3A_333 = tpu.memref_slice %arg2[%select_n3A_299, %add3A_326, %dma_start3A_332] : memref<4x4096x1024xf32, #tpu.memory_space<hbm>> -> memref<1x16x1024xf32, #tpu.memory_space<hbm>>
        %dma_start3A_334 = tpu.memref_squeeze %dma_start3A_333 : memref<1x16x1024xf32, #tpu.memory_space<hbm>> -> memref<16x1024xf32, #tpu.memory_space<hbm>>
        %dma_start3A_335 = arith.constant 0 : i32
        %dma_start3A_336 = arith.constant 0 : i32
        %dma_start3A_337 = tpu.memref_slice %arg5[%dma_start3A_327, %dma_start3A_335, %dma_start3A_336] : memref<2x16x1024xf32, #tpu.memory_space<vmem>> -> memref<1x16x1024xf32, #tpu.memory_space<vmem>>
        %dma_start3A_338 = tpu.memref_squeeze %dma_start3A_337 : memref<1x16x1024xf32, #tpu.memory_space<vmem>> -> memref<16x1024xf32, #tpu.memory_space<vmem>>
        %dma_start3A_339 = arith.constant 0 : i32
        %dma_start3A_340 = tpu.memref_slice %arg2[%select_n3A_299, %add3A_326, %dma_start3A_339] : memref<4x4096x1024xf32, #tpu.memory_space<hbm>> -> memref<1x16x1024xf32, #tpu.memory_space<hbm>>
        %dma_start3A_341 = tpu.memref_squeeze %dma_start3A_340 : memref<1x16x1024xf32, #tpu.memory_space<hbm>> -> memref<16x1024xf32, #tpu.memory_space<hbm>>
        tpu.enqueue_dma source(%dma_start3A_341 : memref<16x1024xf32, #tpu.memory_space<hbm>>) target(%dma_start3A_338 : memref<16x1024xf32, #tpu.memory_space<vmem>>) target_semaphore(%arg8 : memref<!tpu.dma_semaphore, #tpu.memory_space<semaphore_mem>>)
      } else {
      }
      %dma_wait3A_198 = arith.constant 0 : i32
      %dma_wait3A_199 = arith.constant 1 : i32
      %dma_wait3A_200 = arith.constant 0 : i32
      %dma_wait3A_201 = arith.constant 0 : i32
      %dma_wait3A_202 = tpu.memref_slice %arg5[%dma_wait3A_199, %dma_wait3A_200, %dma_wait3A_201] : memref<2x16x1024xf32, #tpu.memory_space<vmem>> -> memref<1x16x1024xf32, #tpu.memory_space<vmem>>
      %dma_wait3A_203 = tpu.memref_squeeze %dma_wait3A_202 : memref<1x16x1024xf32, #tpu.memory_space<vmem>> -> memref<16x1024xf32, #tpu.memory_space<vmem>>
      %dma_wait3A_204 = arith.constant 0 : i32
      %dma_wait3A_205 = arith.constant 0 : i32
      %dma_wait3A_206 = tpu.memref_slice %arg2[%dma_wait3A_198, %dma_wait3A_204, %dma_wait3A_205] : memref<4x4096x1024xf32, #tpu.memory_space<hbm>> -> memref<1x16x1024xf32, #tpu.memory_space<hbm>>
      %dma_wait3A_207 = tpu.memref_squeeze %dma_wait3A_206 : memref<1x16x1024xf32, #tpu.memory_space<hbm>> -> memref<16x1024xf32, #tpu.memory_space<hbm>>
      %dma_wait3A_208 = arith.constant 0 : i32
      %dma_wait3A_209 = arith.constant 0 : i32
      %dma_wait3A_210 = tpu.memref_slice %arg5[%dma_wait3A_199, %dma_wait3A_208, %dma_wait3A_209] : memref<2x16x1024xf32, #tpu.memory_space<vmem>> -> memref<1x16x1024xf32, #tpu.memory_space<vmem>>
      %dma_wait3A_211 = tpu.memref_squeeze %dma_wait3A_210 : memref<1x16x1024xf32, #tpu.memory_space<vmem>> -> memref<16x1024xf32, #tpu.memory_space<vmem>>
      %dma_wait3A_212 = arith.constant 0 : i32
      %dma_wait3A_213 = arith.constant 0 : i32
      %dma_wait3A_214 = tpu.memref_slice %arg2[%dma_wait3A_198, %dma_wait3A_212, %dma_wait3A_213] : memref<4x4096x1024xf32, #tpu.memory_space<hbm>> -> memref<1x16x1024xf32, #tpu.memory_space<hbm>>
      %dma_wait3A_215 = tpu.memref_squeeze %dma_wait3A_214 : memref<1x16x1024xf32, #tpu.memory_space<hbm>> -> memref<16x1024xf32, #tpu.memory_space<hbm>>
      tpu.wait_dma2 semaphore(%arg9 : memref<!tpu.dma_semaphore, #tpu.memory_space<semaphore_mem>>) src(%dma_wait3A_215 : memref<16x1024xf32, #tpu.memory_space<hbm>>) dst(%dma_wait3A_211 : memref<16x1024xf32, #tpu.memory_space<vmem>>)
      %ge3A_216 = arith.constant 2 : i32
      %ge3A_217 = arith.cmpi sge, %add3A_166, %ge3A_216 : i32
      %convert_element_type3A_218 = arith.extui %ge3A_217 : i1 to i32
      %cond3A_219 = arith.constant 0 : i32
      %cond3A_220 = arith.cmpi ne, %convert_element_type3A_218, %cond3A_219 : i32
      scf.if %cond3A_220 {
        %dma_wait3A_282 = arith.constant 1 : i32
        %dma_wait3A_283 = arith.constant 0 : i32
        %dma_wait3A_284 = arith.constant 0 : i32
        %dma_wait3A_285 = arith.constant 0 : i32
        %dma_wait3A_286 = tpu.memref_slice %arg6[%dma_wait3A_282, %dma_wait3A_284, %dma_wait3A_285] : memref<2x16x1024xf32, #tpu.memory_space<vmem>> -> memref<1x16x1024xf32, #tpu.memory_space<vmem>>
        %dma_wait3A_287 = tpu.memref_squeeze %dma_wait3A_286 : memref<1x16x1024xf32, #tpu.memory_space<vmem>> -> memref<16x1024xf32, #tpu.memory_space<vmem>>
        %dma_wait3A_288 = arith.constant 0 : i32
        %dma_wait3A_289 = arith.constant 0 : i32
        %dma_wait3A_290 = tpu.memref_slice %arg4[%dma_wait3A_283, %dma_wait3A_288, %dma_wait3A_289] : memref<4x4096x1024xf32, #tpu.memory_space<hbm>> -> memref<1x16x1024xf32, #tpu.memory_space<hbm>>
        %dma_wait3A_291 = tpu.memref_squeeze %dma_wait3A_290 : memref<1x16x1024xf32, #tpu.memory_space<hbm>> -> memref<16x1024xf32, #tpu.memory_space<hbm>>
        %dma_wait3A_292 = arith.constant 0 : i32
        %dma_wait3A_293 = arith.constant 0 : i32
        %dma_wait3A_294 = tpu.memref_slice %arg4[%dma_wait3A_283, %dma_wait3A_292, %dma_wait3A_293] : memref<4x4096x1024xf32, #tpu.memory_space<hbm>> -> memref<1x16x1024xf32, #tpu.memory_space<hbm>>
        %dma_wait3A_295 = tpu.memref_squeeze %dma_wait3A_294 : memref<1x16x1024xf32, #tpu.memory_space<hbm>> -> memref<16x1024xf32, #tpu.memory_space<hbm>>
        %dma_wait3A_296 = arith.constant 0 : i32
        %dma_wait3A_297 = arith.constant 0 : i32
        %dma_wait3A_298 = tpu.memref_slice %arg6[%dma_wait3A_282, %dma_wait3A_296, %dma_wait3A_297] : memref<2x16x1024xf32, #tpu.memory_space<vmem>> -> memref<1x16x1024xf32, #tpu.memory_space<vmem>>
        %dma_wait3A_299 = tpu.memref_squeeze %dma_wait3A_298 : memref<1x16x1024xf32, #tpu.memory_space<vmem>> -> memref<16x1024xf32, #tpu.memory_space<vmem>>
        tpu.wait_dma2 semaphore(%arg11 : memref<!tpu.dma_semaphore, #tpu.memory_space<semaphore_mem>>) src(%dma_wait3A_299 : memref<16x1024xf32, #tpu.memory_space<vmem>>) dst(%dma_wait3A_295 : memref<16x1024xf32, #tpu.memory_space<hbm>>)
      } else {
      }
      %parallel_loop3A_221 = arith.constant 0 : i32
      %parallel_loop3A_222 = arith.constant 1024 : i32
      %parallel_loop3A_223 = arith.constant 1 : i32
      scf.for %parallel_loop3A_282 = %parallel_loop3A_221 to %parallel_loop3A_222 step %parallel_loop3A_223  : i32 {
        %parallel_loop3A_283 = arith.constant 64 : i32
        %parallel_loop3A_284 = arith.divsi %parallel_loop3A_282, %parallel_loop3A_283 : i32
        %parallel_loop3A_285 = arith.constant 0 : i32
        %parallel_loop3A_286 = arith.cmpi sgt, %parallel_loop3A_282, %parallel_loop3A_285 : i32
        %parallel_loop3A_287 = arith.extui %parallel_loop3A_286 : i1 to i32
        %parallel_loop3A_288 = arith.constant 0 : i32
        %parallel_loop3A_289 = arith.cmpi slt, %parallel_loop3A_282, %parallel_loop3A_288 : i32
        %parallel_loop3A_290 = arith.extui %parallel_loop3A_289 : i1 to i32
        %parallel_loop3A_291 = arith.subi %parallel_loop3A_287, %parallel_loop3A_290 : i32
        %parallel_loop3A_292 = arith.constant 0 : i32
        %parallel_loop3A_293 = arith.cmpi sgt, %parallel_loop3A_283, %parallel_loop3A_292 : i32
        %parallel_loop3A_294 = arith.extui %parallel_loop3A_293 : i1 to i32
        %parallel_loop3A_295 = arith.constant 0 : i32
        %parallel_loop3A_296 = arith.cmpi slt, %parallel_loop3A_283, %parallel_loop3A_295 : i32
        %parallel_loop3A_297 = arith.extui %parallel_loop3A_296 : i1 to i32
        %parallel_loop3A_298 = arith.subi %parallel_loop3A_294, %parallel_loop3A_297 : i32
        %parallel_loop3A_299 = arith.cmpi ne, %parallel_loop3A_291, %parallel_loop3A_298 : i32
        %parallel_loop3A_300 = arith.remsi %parallel_loop3A_282, %parallel_loop3A_283 : i32
        %parallel_loop3A_301 = arith.constant 0 : i32
        %parallel_loop3A_302 = arith.cmpi ne, %parallel_loop3A_300, %parallel_loop3A_301 : i32
        %parallel_loop3A_303 = arith.andi %parallel_loop3A_299, %parallel_loop3A_302 : i1
        %parallel_loop3A_304 = arith.constant 1 : i32
        %parallel_loop3A_305 = arith.subi %parallel_loop3A_284, %parallel_loop3A_304 : i32
        %parallel_loop3A_306 = arith.select %parallel_loop3A_303, %parallel_loop3A_305, %parallel_loop3A_284 : i32
        %parallel_loop3A_307 = arith.constant 64 : i32
        %parallel_loop3A_308 = arith.constant 0 : i32
        %parallel_loop3A_309 = arith.cmpi eq, %parallel_loop3A_307, %parallel_loop3A_308 : i32
        %parallel_loop3A_310 = arith.constant 1 : i32
        %parallel_loop3A_311 = arith.select %parallel_loop3A_309, %parallel_loop3A_310, %parallel_loop3A_307 : i32
        %parallel_loop3A_312 = arith.remsi %parallel_loop3A_282, %parallel_loop3A_311 : i32
        %parallel_loop3A_313 = arith.constant 0 : i32
        %parallel_loop3A_314 = arith.cmpi ne, %parallel_loop3A_312, %parallel_loop3A_313 : i32
        %parallel_loop3A_315 = arith.constant 0 : i32
        %parallel_loop3A_316 = arith.cmpi slt, %parallel_loop3A_312, %parallel_loop3A_315 : i32
        %parallel_loop3A_317 = arith.constant 0 : i32
        %parallel_loop3A_318 = arith.cmpi slt, %parallel_loop3A_311, %parallel_loop3A_317 : i32
        %parallel_loop3A_319 = arith.xori %parallel_loop3A_316, %parallel_loop3A_318 : i1
        %parallel_loop3A_320 = arith.andi %parallel_loop3A_319, %parallel_loop3A_314 : i1
        %parallel_loop3A_321 = arith.addi %parallel_loop3A_312, %parallel_loop3A_311 : i32
        %parallel_loop3A_322 = arith.select %parallel_loop3A_320, %parallel_loop3A_321, %parallel_loop3A_312 : i32
        %parallel_loop3A_323 = arith.constant 16 : i32
        %parallel_loop3A_324 = arith.muli %parallel_loop3A_322, %parallel_loop3A_323 : i32
        %parallel_loop3A_325 = arith.constant 1 : i32
        %parallel_loop3A_326 = arith.index_cast %parallel_loop3A_325 : i32 to index
        %parallel_loop3A_327 = arith.index_cast %parallel_loop3A_306 : i32 to index
        %parallel_loop3A_328 = arith.index_cast %parallel_loop3A_324 : i32 to index
        %parallel_loop3A_329 = tpu.vector_load %arg5[%parallel_loop3A_326, %parallel_loop3A_327, %parallel_loop3A_328] {strides = array<i32>} : memref<2x16x1024xf32, #tpu.memory_space<vmem>>, vector<1x1x16xf32>,
        %parallel_loop3A_330 = vector.shape_cast %parallel_loop3A_329 : vector<1x1x16xf32> to vector<16xf32>
        %parallel_loop3A_331 = arith.index_cast %parallel_loop3A_306 : i32 to index
        %parallel_loop3A_332 = arith.index_cast %parallel_loop3A_324 : i32 to index
        %parallel_loop3A_333 = tpu.vector_load %arg7[%parallel_loop3A_331, %parallel_loop3A_332] {strides = array<i32>} : memref<16x1024xf32, #tpu.memory_space<vmem>>, vector<1x16xf32>,
        %parallel_loop3A_334 = vector.shape_cast %parallel_loop3A_333 : vector<1x16xf32> to vector<16xf32>
        %parallel_loop3A_335 = arith.addf %parallel_loop3A_330, %parallel_loop3A_334 : vector<16xf32>
        %parallel_loop3A_336 = arith.constant 1 : i32
        %parallel_loop3A_337 = arith.index_cast %parallel_loop3A_336 : i32 to index
        %parallel_loop3A_338 = arith.index_cast %parallel_loop3A_306 : i32 to index
        %parallel_loop3A_339 = arith.index_cast %parallel_loop3A_324 : i32 to index
        %parallel_loop3A_340 = tpu.vector_load %arg6[%parallel_loop3A_337, %parallel_loop3A_338, %parallel_loop3A_339] {strides = array<i32>} : memref<2x16x1024xf32, #tpu.memory_space<vmem>>, vector<1x1x16xf32>,
        %parallel_loop3A_341 = vector.shape_cast %parallel_loop3A_340 : vector<1x1x16xf32> to vector<16xf32>
        %parallel_loop3A_342 = vector.shape_cast %parallel_loop3A_335 : vector<16xf32> to vector<1x1x16xf32>
        tpu.vector_store %arg6[%parallel_loop3A_337, %parallel_loop3A_338, %parallel_loop3A_339], %parallel_loop3A_342 {strides = array<i32>} : memref<2x16x1024xf32, #tpu.memory_space<vmem>>, vector<1x1x16xf32>,
      } {sc.loop_unroll_factor = 8 : i64, sc.parallel_access}
      %jit3A_224 = arith.constant 4 : i32
      %eq3A_225 = arith.constant 0 : i32
      %eq3A_226 = arith.cmpi eq, %jit3A_224, %eq3A_225 : i32
      %jit3A_227 = arith.constant 1 : i32
      %select_n3A_228 = arith.select %eq3A_226, %jit3A_227, %jit3A_224 : i32
      %rem3A_229 = arith.remsi %add3A_166, %select_n3A_228 : i32
      %ne3A_230 = arith.constant 0 : i32
      %ne3A_231 = arith.cmpi ne, %rem3A_229, %ne3A_230 : i32
      %lt3A_232 = arith.constant 0 : i32
      %lt3A_233 = arith.cmpi slt, %rem3A_229, %lt3A_232 : i32
      %lt3A_234 = arith.constant 0 : i32
      %lt3A_235 = arith.cmpi slt, %select_n3A_228, %lt3A_234 : i32
      %ne3A_236 = arith.xori %lt3A_233, %lt3A_235 : i1
      %and3A_237 = arith.andi %ne3A_236, %ne3A_231 : i1
      %add3A_238 = arith.addi %rem3A_229, %select_n3A_228 : i32
      %select_n3A_239 = arith.select %and3A_237, %add3A_238, %rem3A_229 : i32
      %jit3A_240 = arith.constant 4 : i32
      %div3A_241 = arith.divsi %add3A_166, %jit3A_240 : i32
      %sign3A_242 = arith.constant 0 : i32
      %sign3A_243 = arith.cmpi sgt, %add3A_166, %sign3A_242 : i32
      %sign3A_244 = arith.extui %sign3A_243 : i1 to i32
      %sign3A_245 = arith.constant 0 : i32
      %sign3A_246 = arith.cmpi slt, %add3A_166, %sign3A_245 : i32
      %sign3A_247 = arith.extui %sign3A_246 : i1 to i32
      %sign3A_248 = arith.subi %sign3A_244, %sign3A_247 : i32
      %sign3A_249 = arith.constant 0 : i32
      %sign3A_250 = arith.cmpi sgt, %jit3A_240, %sign3A_249 : i32
      %sign3A_251 = arith.extui %sign3A_250 : i1 to i32
      %sign3A_252 = arith.constant 0 : i32
      %sign3A_253 = arith.cmpi slt, %jit3A_240, %sign3A_252 : i32
      %sign3A_254 = arith.extui %sign3A_253 : i1 to i32
      %sign3A_255 = arith.subi %sign3A_251, %sign3A_254 : i32
      %ne3A_256 = arith.cmpi ne, %sign3A_248, %sign3A_255 : i32
      %rem3A_257 = arith.remsi %add3A_166, %jit3A_240 : i32
      %ne3A_258 = arith.constant 0 : i32
      %ne3A_259 = arith.cmpi ne, %rem3A_257, %ne3A_258 : i32
      %and3A_260 = arith.andi %ne3A_256, %ne3A_259 : i1
      %sub3A_261 = arith.constant 1 : i32
      %sub3A_262 = arith.subi %div3A_241, %sub3A_261 : i32
      %select_n3A_263 = arith.select %and3A_260, %sub3A_262, %div3A_241 : i32
      %mul3A_264 = arith.constant 16 : i32
      %mul3A_265 = arith.muli %select_n3A_263, %mul3A_264 : i32
      %add3A_266 = arith.addi %mul3A_2, %mul3A_265 : i32
      %dma_start3A_267 = arith.constant 1 : i32
      %dma_start3A_268 = arith.constant 0 : i32
      %dma_start3A_269 = arith.constant 0 : i32
      %dma_start3A_270 = tpu.memref_slice %arg6[%dma_start3A_267, %dma_start3A_268, %dma_start3A_269] : memref<2x16x1024xf32, #tpu.memory_space<vmem>> -> memref<1x16x1024xf32, #tpu.memory_space<vmem>>
      %dma_start3A_271 = tpu.memref_squeeze %dma_start3A_270 : memref<1x16x1024xf32, #tpu.memory_space<vmem>> -> memref<16x1024xf32, #tpu.memory_space<vmem>>
      %dma_start3A_272 = arith.constant 0 : i32
      %dma_start3A_273 = tpu.memref_slice %arg4[%select_n3A_239, %add3A_266, %dma_start3A_272] : memref<4x4096x1024xf32, #tpu.memory_space<hbm>> -> memref<1x16x1024xf32, #tpu.memory_space<hbm>>
      %dma_start3A_274 = tpu.memref_squeeze %dma_start3A_273 : memref<1x16x1024xf32, #tpu.memory_space<hbm>> -> memref<16x1024xf32, #tpu.memory_space<hbm>>
      %dma_start3A_275 = arith.constant 0 : i32
      %dma_start3A_276 = tpu.memref_slice %arg4[%select_n3A_239, %add3A_266, %dma_start3A_275] : memref<4x4096x1024xf32, #tpu.memory_space<hbm>> -> memref<1x16x1024xf32, #tpu.memory_space<hbm>>
      %dma_start3A_277 = tpu.memref_squeeze %dma_start3A_276 : memref<1x16x1024xf32, #tpu.memory_space<hbm>> -> memref<16x1024xf32, #tpu.memory_space<hbm>>
      %dma_start3A_278 = arith.constant 0 : i32
      %dma_start3A_279 = arith.constant 0 : i32
      %dma_start3A_280 = tpu.memref_slice %arg6[%dma_start3A_267, %dma_start3A_278, %dma_start3A_279] : memref<2x16x1024xf32, #tpu.memory_space<vmem>> -> memref<1x16x1024xf32, #tpu.memory_space<vmem>>
      %dma_start3A_281 = tpu.memref_squeeze %dma_start3A_280 : memref<1x16x1024xf32, #tpu.memory_space<vmem>> -> memref<16x1024xf32, #tpu.memory_space<vmem>>
      tpu.enqueue_dma source(%dma_start3A_281 : memref<16x1024xf32, #tpu.memory_space<vmem>>) target(%dma_start3A_277 : memref<16x1024xf32, #tpu.memory_space<hbm>>) target_semaphore(%arg11 : memref<!tpu.dma_semaphore, #tpu.memory_space<semaphore_mem>>)
    }
    %scan3A_24 = arith.constant 16 : i32
    %dma_wait3A = arith.constant 0 : i32
    %dma_wait3A_25 = arith.constant 0 : i32
    %dma_wait3A_26 = arith.constant 0 : i32
    %dma_wait3A_27 = arith.constant 0 : i32
    %dma_wait3A_28 = tpu.memref_slice %arg6[%dma_wait3A, %dma_wait3A_26, %dma_wait3A_27] : memref<2x16x1024xf32, #tpu.memory_space<vmem>> -> memref<1x16x1024xf32, #tpu.memory_space<vmem>>
    %dma_wait3A_29 = tpu.memref_squeeze %dma_wait3A_28 : memref<1x16x1024xf32, #tpu.memory_space<vmem>> -> memref<16x1024xf32, #tpu.memory_space<vmem>>
    %dma_wait3A_30 = arith.constant 0 : i32
    %dma_wait3A_31 = arith.constant 0 : i32
    %dma_wait3A_32 = tpu.memref_slice %arg4[%dma_wait3A_25, %dma_wait3A_30, %dma_wait3A_31] : memref<4x4096x1024xf32, #tpu.memory_space<hbm>> -> memref<1x16x1024xf32, #tpu.memory_space<hbm>>
    %dma_wait3A_33 = tpu.memref_squeeze %dma_wait3A_32 : memref<1x16x1024xf32, #tpu.memory_space<hbm>> -> memref<16x1024xf32, #tpu.memory_space<hbm>>
    %dma_wait3A_34 = arith.constant 0 : i32
    %dma_wait3A_35 = arith.constant 0 : i32
    %dma_wait3A_36 = tpu.memref_slice %arg4[%dma_wait3A_25, %dma_wait3A_34, %dma_wait3A_35] : memref<4x4096x1024xf32, #tpu.memory_space<hbm>> -> memref<1x16x1024xf32, #tpu.memory_space<hbm>>
    %dma_wait3A_37 = tpu.memref_squeeze %dma_wait3A_36 : memref<1x16x1024xf32, #tpu.memory_space<hbm>> -> memref<16x1024xf32, #tpu.memory_space<hbm>>
    %dma_wait3A_38 = arith.constant 0 : i32
    %dma_wait3A_39 = arith.constant 0 : i32
    %dma_wait3A_40 = tpu.memref_slice %arg6[%dma_wait3A, %dma_wait3A_38, %dma_wait3A_39] : memref<2x16x1024xf32, #tpu.memory_space<vmem>> -> memref<1x16x1024xf32, #tpu.memory_space<vmem>>
    %dma_wait3A_41 = tpu.memref_squeeze %dma_wait3A_40 : memref<1x16x1024xf32, #tpu.memory_space<vmem>> -> memref<16x1024xf32, #tpu.memory_space<vmem>>
    tpu.wait_dma2 semaphore(%arg10 : memref<!tpu.dma_semaphore, #tpu.memory_space<semaphore_mem>>) src(%dma_wait3A_41 : memref<16x1024xf32, #tpu.memory_space<vmem>>) dst(%dma_wait3A_37 : memref<16x1024xf32, #tpu.memory_space<hbm>>)
    %dma_wait3A_42 = arith.constant 1 : i32
    %dma_wait3A_43 = arith.constant 0 : i32
    %dma_wait3A_44 = arith.constant 0 : i32
    %dma_wait3A_45 = arith.constant 0 : i32
    %dma_wait3A_46 = tpu.memref_slice %arg6[%dma_wait3A_42, %dma_wait3A_44, %dma_wait3A_45] : memref<2x16x1024xf32, #tpu.memory_space<vmem>> -> memref<1x16x1024xf32, #tpu.memory_space<vmem>>
    %dma_wait3A_47 = tpu.memref_squeeze %dma_wait3A_46 : memref<1x16x1024xf32, #tpu.memory_space<vmem>> -> memref<16x1024xf32, #tpu.memory_space<vmem>>
    %dma_wait3A_48 = arith.constant 0 : i32
    %dma_wait3A_49 = arith.constant 0 : i32
    %dma_wait3A_50 = tpu.memref_slice %arg4[%dma_wait3A_43, %dma_wait3A_48, %dma_wait3A_49] : memref<4x4096x1024xf32, #tpu.memory_space<hbm>> -> memref<1x16x1024xf32, #tpu.memory_space<hbm>>
    %dma_wait3A_51 = tpu.memref_squeeze %dma_wait3A_50 : memref<1x16x1024xf32, #tpu.memory_space<hbm>> -> memref<16x1024xf32, #tpu.memory_space<hbm>>
    %dma_wait3A_52 = arith.constant 0 : i32
    %dma_wait3A_53 = arith.constant 0 : i32
    %dma_wait3A_54 = tpu.memref_slice %arg4[%dma_wait3A_43, %dma_wait3A_52, %dma_wait3A_53] : memref<4x4096x1024xf32, #tpu.memory_space<hbm>> -> memref<1x16x1024xf32, #tpu.memory_space<hbm>>
    %dma_wait3A_55 = tpu.memref_squeeze %dma_wait3A_54 : memref<1x16x1024xf32, #tpu.memory_space<hbm>> -> memref<16x1024xf32, #tpu.memory_space<hbm>>
    %dma_wait3A_56 = arith.constant 0 : i32
    %dma_wait3A_57 = arith.constant 0 : i32
    %dma_wait3A_58 = tpu.memref_slice %arg6[%dma_wait3A_42, %dma_wait3A_56, %dma_wait3A_57] : memref<2x16x1024xf32, #tpu.memory_space<vmem>> -> memref<1x16x1024xf32, #tpu.memory_space<vmem>>
    %dma_wait3A_59 = tpu.memref_squeeze %dma_wait3A_58 : memref<1x16x1024xf32, #tpu.memory_space<vmem>> -> memref<16x1024xf32, #tpu.memory_space<vmem>>
    tpu.wait_dma2 semaphore(%arg11 : memref<!tpu.dma_semaphore, #tpu.memory_space<semaphore_mem>>) src(%dma_wait3A_59 : memref<16x1024xf32, #tpu.memory_space<vmem>>) dst(%dma_wait3A_55 : memref<16x1024xf32, #tpu.memory_space<hbm>>)
    return
  }
}

</mosaic_0001>

<sc_bundles>
// kernel: kernel.3.cloned.1.call-start
scs
__scs_entry_jumppad:
0x0: {  	(pc) =	sbr.rel $0x88, $3  }
0x1: {  	(tag) =	ssettag $0x0;
	lr =	simm.s32 $0x1  }
0x2: {  	[smem:$0x3F9F] =	sst lr;
	_ =	strace $0xD0000000  }
0x3: {  	_ = 	snop  }
0x4: {  	_ = 	snop  }
0x5: {  	_ = 	snop  }
0x6: {  	_ = 	snop  }
0x7: {  	_ = 	snop  }
__scs_overlays_trampoline_lowered:
0x8: {  	[smem:$0x3FAE] =	sst s0  }
0x9: {  	[smem:$0x3FAF] =	sst s1  }
0xa: {  	[smem:$0x3FB0] =	sst s2  }
0xb: {  	[smem:$0x3FB1] =	sst s3  }
0xc: {  	[smem:$0x3FB2] =	sst s4  }
0xd: {  	[smem:$0x3FB3] =	sst s5  }
0xe: {  	[smem:$0x3FB4] =	sst s6  }
0xf: {  	[smem:$0x3FB5] =	sst s7  }
0x10: {  	[smem:$0x3FB6] =	sst s8  }
0x11: {  	[smem:$0x3FB7] =	sst s9;
	s0 =	simm.s32 @!p0 $0x0  }
0x12: {  	s1 =	sld [smem:$0x3F9D];
	s0 =	simm.s32 @p0 $0x1  }
0x13: {  	[smem:$0x3FB8] =	sst s0;
	s0 =	simm.s32 @!p1 $0x0  }
0x14: {  	s2 =	sld [smem:$0x3F9C];
	s0 =	simm.s32 @p1 $0x1  }
0x15: {  	[smem:$0x3FB9] =	sst s0;
	s0 =	simm.s32 @!p2 $0x0  }
0x16: {  	s3 =	sld [smem:$0x3FDB];
	s0 =	simm.s32 @p2 $0x1  }
0x17: {  	s4 =	simm.s32 $0x1BF5;
	[smem:$0x3FBB] =	sst s0  }
0x18: {  	s0 =	sld [smem:$0x3F9E];
	_ =	swait.ge [sflag:s4], $0x0  }
0x19: {  	s7 =	sld [smem:$0x3F9F]  }
0x1a: {  	s8 =	sadd.s32 $0xFFFFE003, lr  }
0x1b: {  	s9 =	sadd.s32 $0xFFFFFEF7, lr;
	s5 =	simm.s32 $0xFFFFFFFF;
	p2 =	slt.u32 s8, $0xFFFFF086  }
0x1c: {  	p1 =	slt.u32 s9, $0xF7A;
	s5 =	simm.s32 @!p2 $0x0  }
0x1d: {  	s5 =	simm.s32 @p1 $0x1;
	p0 =	seq.s32 s7, s2  }
0x1e: {  	s7 =	smul.u32 @!p0 $0xF7A, s2;
	p2 =	seq.s32 @!p0 s5, $0x0  }
0x1f: {  	s9 =	smul.u32 $0xF7A, s1;
	s8 =	simm.s32 @!p0 $0x1BF5;
	p2 =	por !p2, p0  }
0x20: {  	[sflag:s8] =	ssyncset.s32 @!p0 $0xFFFFF086;
	s6 =	sadd.s32 @!p0 s3, s7;
	s7 =	simm.s32 @!p0 $0x108  }
0x21: {  	s3 =	sadd.s32 s3, s9;
	s6 =	sadd.s32 @!p0 $0x88, s6;
	s7 =	simm.s32 @p2 $0x1082  }
0x22: {  	[simem:s7], [sflag:s8] =	dma.local @!p0 [hbm:s6], $0xF7A  }
0x23: {  	s9 =	sor.u32 $0xD0000000, s2;
	s6 =	simm.s32 $0x108;
	_ =	swait.ge @!p0 [sflag:s8], $0x0  }
0x24: {  	s3 =	sadd.s32 $0x88, s3;
	s6 =	simm.s32 @!p1 $0x1082;
	[sflag:s4] =	ssyncset.s32 $0xFFFFF086  }
0x25: {  	[simem:s6], [sflag:s4] =	dma.local [hbm:s3], $0xF7A  }
0x26: {  	[smem:$0x3F9F] =	sst s1;
	(tag) =	ssettag s2;
	_ =	strace s9  }
0x27: {  	s1 =	sld [smem:$0x3FAF]  }
0x28: {  	s2 =	sld [smem:$0x3FB0]  }
0x29: {  	s4 =	sld [smem:$0x3FB2]  }
0x2a: {  	p0 =	seq.s32 s5, $0x0;
	s5 =	sld [smem:$0x3FB3]  }
0x2b: {  	s6 =	sld [smem:$0x3FB4]  }
0x2c: {  	s7 =	sld [smem:$0x3FB5]  }
0x2d: {  	s3 =	simm.s32 $0x108;
	s8 =	sld [smem:$0x3FB6]  }
0x2e: {  	s3 =	simm.s32 @!p0 $0x1082;
	s9 =	sld [smem:$0x3FB7]  }
0x2f: {  	lr =	sadd.s32 s0, s3;
	s0 =	sld [smem:$0x3FAE]  }
0x30: {  	s3 =	sld [smem:$0x3FB1]  }
0x31: {  	[smem:$0x3FBA] =	sst s10  }
0x32: {  	s10 =	sld [smem:$0x3FB8];
	_ =	sdelay $0x3  }
0x33: {  	p0 =	seq.s32 s10, $0x1;
	s10 =	sld [smem:$0x3FBA];
	_ =	sdelay $0x3  }
0x34: {  	[smem:$0x3FBA] =	sst s10  }
0x35: {  	s10 =	sld [smem:$0x3FB9];
	_ =	sdelay $0x3  }
0x36: {  	p1 =	seq.s32 s10, $0x1;
	s10 =	sld [smem:$0x3FBA];
	_ =	sdelay $0x3  }
0x37: {  	[smem:$0x3FBA] =	sst s10  }
0x38: {  	s10 =	sld [smem:$0x3FBB]  }
0x39: {  	_ = 	snop;
	(pc) =	sbr.ind lr, $3  }
0x3a: {  	_ = 	snop  }
0x3b: {  	_ = 	snop  }
0x3c: {  	p2 =	seq.s32 s10, $0x1;
	s10 =	sld [smem:$0x3FBA]  }
0x3d: {  	_ =	shalt  }
0x3e: {  	_ =	shalt  }
0x3f: {  	_ =	shalt  }
0x40: {  	_ =	shalt  }
0x41: {  	_ =	shalt  }
0x42: {  	_ =	shalt  }
0x43: {  	_ =	shalt  }
0x44: {  	_ =	shalt  }
0x45: {  	_ =	shalt  }
0x46: {  	_ =	shalt  }
0x47: {  	_ =	shalt  }
0x48: {  	_ =	shalt  }
0x49: {  	_ =	shalt  }
0x4a: {  	_ =	shalt  }
0x4b: {  	_ =	shalt  }
0x4c: {  	_ =	shalt  }
0x4d: {  	_ =	shalt  }
0x4e: {  	_ =	shalt  }
0x4f: {  	_ =	shalt  }
0x50: {  	_ =	shalt  }
0x51: {  	_ =	shalt  }
0x52: {  	_ =	shalt  }
0x53: {  	_ =	shalt  }
0x54: {  	_ =	shalt  }
0x55: {  	_ =	shalt  }
0x56: {  	_ =	shalt  }
0x57: {  	_ =	shalt  }
0x58: {  	_ =	shalt  }
0x59: {  	_ =	shalt  }
0x5a: {  	_ =	shalt  }
0x5b: {  	_ =	shalt  }
0x5c: {  	_ =	shalt  }
0x5d: {  	_ =	shalt  }
0x5e: {  	_ =	shalt  }
0x5f: {  	_ =	shalt  }
0x60: {  	_ =	shalt  }
0x61: {  	_ =	shalt  }
0x62: {  	_ =	shalt  }
0x63: {  	_ =	shalt  }
0x64: {  	_ =	shalt  }
0x65: {  	_ =	shalt  }
0x66: {  	_ =	shalt  }
0x67: {  	_ =	shalt  }
0x68: {  	_ =	shalt  }
0x69: {  	_ =	shalt  }
0x6a: {  	_ =	shalt  }
0x6b: {  	_ =	shalt  }
0x6c: {  	_ =	shalt  }
0x6d: {  	_ =	shalt  }
0x6e: {  	_ =	shalt  }
0x6f: {  	_ =	shalt  }
0x70: {  	_ =	shalt  }
0x71: {  	_ =	shalt  }
0x72: {  	_ =	shalt  }
0x73: {  	_ =	shalt  }
0x74: {  	_ =	shalt  }
0x75: {  	_ =	shalt  }
0x76: {  	_ =	shalt  }
0x77: {  	_ =	shalt  }
0x78: {  	_ =	shalt  }
0x79: {  	_ =	shalt  }
0x7a: {  	_ =	shalt  }
0x7b: {  	_ =	shalt  }
0x7c: {  	_ =	shalt  }
0x7d: {  	_ =	shalt  }
0x7e: {  	_ =	shalt  }
0x7f: {  	_ =	shalt  }
0x80: {  	_ =	shalt  }
0x81: {  	_ =	shalt  }
0x82: {  	_ =	shalt  }
0x83: {  	_ =	shalt  }
0x84: {  	_ =	shalt  }
0x85: {  	_ =	shalt  }
0x86: {  	_ =	shalt  }
0x87: {  	_ =	shalt  }
.Lfunc_end0:
.L_simem_size_0:
called_computation_lowered:
.L_overlay_start_0:
0x88: {  	s2 =	sld [smem:$0x3FD9]  }
0x89: {  	s3 =	sld [smem:$0x3FFE];
	_ =	sdelay $0x1  }
0x8a: {  	s1 =	srdreg.scid  }
0x8b: {  	s0 =	sand.u32 $0x1, s1  }
0x8c: {  	s18 =	sshll.u32 s0, $0xA;
	s2 =	sadd.s32 s3, s2  }
0x8d: {  	s2 =	sadd.s32 s2, s18  }
0x8e: {  	[smem:$0x3FC6] =	sst s2  }
0x8f: {  	_ = 	snop  }
0x90: {  	s2 =	sld [smem:$0x3FC9]  }
0x91: {  	s19 =	sld [smem:$0x3FC8]  }
0x92: {  	s4 =	sld [smem:$0x3FD0];
	(tm) =	ssettm $0x1  }
0x93: {  	s5 =	sld [smem:$0x3FFB];
	_ =	sdelay $0x3  }
0x94: {  	_ =	strace s5  }
0x95: {  	s5 =	sld [smem:$0x3FFC];
	_ =	sdelay $0x3  }
0x96: {  	_ =	strace s5  }
0x97: {  	s5 =	sld [smem:$0x3FFD];
	_ =	sdelay $0x3  }
0x98: {  	_ =	strace s5  }
0x99: {  	_ =	strace $0x8FFFFFFF  }
0x9a: {  	s20 =	sld [smem:$0x3FDB];
	_ =	sdelay $0x1  }
0x9b: {  	s6 =	simm.s32 $_scs_section_size  }
0x9c: {  	s7 =	simm.s32 $_size__tile_overlayer_lowered;
	s8 =	simm.s32 $_tile_overlayer_lowered  }
0x9d: {  	s23 =	simm.s32 $0x1BFF;
	s22 =	sshll.u32 s8, $0x1;
	s5 =	sadd.s32 s6, s20  }
0x9e: {  	s9 =	simm.s32 $0x0;
	s21 =	sshll.u32 s7, $0x1;
	s7 =	sadd.s32 s22, s5  }
0x9f: {  	[timem:s9], [sflag:s23] =	dma.local [hbm:s7], s21  }
0xa0: {  	_ =	swait.ge [sflag:s23], s21  }
0xa1: {  	s6 =	ssub.s32 $0x0, s21;
	[sflag:s23] =	ssyncset.done $0x0  }
0xa2: {  	[sflag:s23] =	ssyncadd.s32 s6;
	_ =	sdelay $0x1  }
0xa3: {  	s24 =	simm.s32 $0x1B8B  }
0xa4: {  	_ =	swait.ge [sflag:s24], $0x1  }
0xa5: {  	[sflag:s24] =	ssyncset.done $0x0  }
0xa6: {  	s25 =	simm.s32 $0x1B8E;
	[sflag:s24] =	ssyncadd.s32 $0xFFFFFFFF  }
0xa7: {  	s26 =	simm.s32 $execute0_lowered;
	[smem:$0x3FD2] =	sst s25  }
0xa8: {  	s6 =	sshll.u32 s26, $0x1;
	_ =	strace $0x80000046;
	[dreg:$0x1] =	wrdreg $0xFFFFFFFF  }
0xa9: {  	s28 =	simm.s32 $_size_execute0_lowered;
	s5 =	sadd.s32 s5, s6;
	[dreg:$0x0] =	wrdreg $0x0  }
0xaa: {  	s6 =	sshll.u32 s28, $0x1;
	[dreg:$0x2] =	wrdreg s5  }
0xab: {  	[dreg:$0x3] =	wrdreg s6  }
0xac: {  	[dreg:$0x4] =	wrdreg $0xC0  }
0xad: {  	_ =	task [dreg:s9], $0x5FFFF  }
0xae: {  	[dreg:$0x1] =	wrdreg $0xFFFFFFFF  }
0xaf: {  	[dreg:$0x0] =	wrdreg $0x60  }
0xb0: {  	[dreg:$0x2] =	wrdreg s2  }
0xb1: {  	[dreg:$0x3] =	wrdreg s19  }
0xb2: {  	[dreg:$0x4] =	wrdreg s4  }
0xb3: {  	[dreg:$0x5] =	wrdreg $0x9  }
0xb4: {  	_ =	task.clear_ibuf [dreg:s9], $0x6FFFF;
	_ =	strace $0x90000046  }
0xb5: {  	s29 =	simm.s32 $0x9;
	_ =	strace $0x80000048  }
0xb6: {  	_ =	swait.ge [sflag:s29], $0x1  }
0xb7: {  	[sflag:s29] =	ssyncadd.s32 $0xFFFFFFFF  }
0xb8: {  	_ =	strace $0x90000048  }
0xb9: {  	_ =	sfence  }
0xba: {  	s30 =	sld [smem:$0x0];
	_ =	sdelay $0x2  }
0xbb: {  	s31 =	sshll.u32 s1, $0xD;
	s1 =	sshrl.u32 s1, $0x2  }
0xbc: {  	s3 =	sand.u32 $0x4000, s31;
	s1 =	sadd.s32 s1, s30  }
0xbd: {  	s0 =	sor.u32 s3, s0;
	s1 =	sshll.u32 s1, $0x11  }
0xbe: {  	s0 =	sor.u32 s1, s0  }
0xbf: {  	s0 =	sadd.s32 $0x8F2B, s0  }
0xc0: {  	[sflag:s0] =	ssyncadd.remote.s32 $0x1  }
0xc1: {  	_ =	sfence.sel $0xFFFF  }
0xc2: {  	[dreg:$0x0] =	wrdreg $0xFFFFFFFF;
	(pc) =	sbr.abs _section_cstart, $3  }
0xc3: {  	[dreg:$0x1] =	wrdreg $0xFFFFFFFF  }
0xc4: {  	_ =	task.clear_ibuf [dreg:s9], $0x2FFFF;
	_ =	strace $0x9FFFFFFF  }
0xc5: {  	(tm) =	ssettm $0x7FFFFFFF  }
tec
execute0_lowered:
.L_overlay_start_1:
0x0: {  	(tag) =	ssettag $0x1  }
0x1: {  	s2 =	rddreg [dreg:$0x0]  }
0x2: {  	s3 =	rddreg [dreg:$0x1];
	s0 =	srdreg.scid  }
0x3: {  	s4 =	rddreg [dreg:$0x2];
	s1 =	stileid.u32  }
0x4: {  	s5 =	simm.s32 $0x0;
	s11 =	simm.s32 $0x10000;
	s12 =	simm.s32 $0x5  }
0x5: {  	s13 =	simm.s32 $0x4000;
	s14 =	simm.s32 $0x1;
	s15 =	simm.s32 $0x8000  }
0x6: {  	s16 =	simm.s32 $0x2;
	s17 =	simm.s32 $0x4;
	s18 =	simm.s32 $0xC000  }
0x7: {  	s19 =	simm.s32 $0x3;
	s20 =	simm.s32 $0x0;
	s6 =	sand.u32 $0x1, s0  }
0x8: {  	s7 =	sshll.u32 s1, $0x8;
	s8 =	sshll.u32 s6, $0x7;
	s9 =	ssub.s32 $0x2, s6  }
0x9: {  	[smem:$0x7FF] =	sst s5;
	s6 =	sor.u32 s8, s7;
	s31 =	sshrl.u32 s9, $0x1  }
0xa: {  	_ =	strace $0x80000047;
	s7 =	sshll.u32 s6, $0x7;
	s10 =	ssub.s32 s9, s31  }
0xb: {  	s8 =	sadd.s32 s2, s7;
	s9 =	sadd.s32 s3, s7;
	s10 =	smax.u32 s10, $0x1  }
.LBB2_1:
0xc: {  	[tilespmem:s5], [sflag:$0x1] =	stream.linear.gather [hbm4b:s8+s5], $0x4000, $0x38;
	[tilespmem:$0x14000] =	vst v63  }
0xd: {  	_ = 	snop  }
0xe: {  	[tilespmem:s11], [sflag:$0x5] =	stream.linear.gather [hbm4b:s9+s5], $0x4000, $0x38;
	[tilespmem:$0x14000] =	vst v63  }
0xf: {  	_ =	swait.ge [sflag:s12], $0x4000  }
0x10: {  	[sflag:s12] =	ssyncset.done $0x0  }
0x11: {  	s21 =	simm.s32 $0x0;
	[sflag:s12] =	ssyncadd.s32 $0xFFFFC000  }
.LBB2_2:
0x12: {  	s23 =	sshll.u32 s21, $0x1  }
0x13: {  	p0 =	seq.s32 s21, $0x0;
	s24 =	sand.u32 $0x2, s23  }
0x14: {  	p1 =	sne.s32 @!p0 s24, $0x0  }
0x15: {  	p1 =	por p1, p0  }
0x16: {  	s22 =	sshll.u32 @!p1 s21, $0x3  }
0x17: {  	s22 =	sand.u32 @!p1 $0x70, s22  }
0x18: {  	s22 =	sor.u32 @!p1 s6, s22  }
0x19: {  	s31 =	sshll.u32 s21, $0xA;
	s22 =	sshll.u32 @!p1 s22, $0x7  }
0x1a: {  	s25 =	simm.s32 @!p1 $0x0;
	s26 =	simm.s32 @!p1 $0x10000;
	s22 =	sadd.s32 @!p1 s3, s22  }
0x1b: {  	[tilespmem:s26], [sflag:$0x5] =	stream.linear.gather @!p1 [hbm4b:s22+s25], $0x4000, $0x38;
	[tilespmem:$0x14000] =	vst v63  }
0x1c: {  	s0 =	sshll.u32 s21, $0x14;
	s22 =	sand.u32 $0x3800, s31  }
0x1d: {  	s28 =	sand.u32 $0x100000, s0;
	s26 =	simm.s32 @!p1 $0x5;
	s25 =	sor.u32 s7, s22  }
0x1e: {  	_ =	swait.ge @!p1 [sflag:s26], $0x4000;
	s22 =	sor.u32 s25, s28  }
0x1f: {  	[sflag:s26] =	ssyncset.done @!p1 $0x0;
	s22 =	sor.u32 $0x80000, s22  }
0x20: {  	[sflag:s26] =	ssyncadd.s32 @!p1 $0xFFFFC000;
	s30 =	sadd.s32 s2, s22  }
0x21: {  	[tilespmem:s13], [sflag:$0x2] =	stream.linear.gather [hbm4b:s30+s5], $0x4000, $0x38;
	[tilespmem:$0x14000] =	vst v63  }
0x22: {  	s29 =	simm.s32 $0x0;
	_ =	swait.ge [sflag:s14], $0x4000  }
0x23: {  	s29 =	sand.u32 $0x2000, s29;
	[sflag:s14] =	ssyncset.done $0x0  }
0x24: {  	s28 =	simm.s32 $0x0;
	s26 =	simm.s32 @!p0 $0x3;
	[sflag:s14] =	ssyncadd.s32 $0xFFFFC000  }
0x25: {  	s31 =	simm.s32 $0x0;
	s30 =	sand.u32 $0x1C00, s28;
	_ =	swait.ge @!p0 [sflag:s26], $0x4000  }
0x26: {  	s31 =	sand.u32 $0x380, s31;
	s29 =	sor.u32 s30, s29;
	[sflag:s26] =	ssyncset.done @!p0 $0x0  }
0x27: {  	[sflag:s26] =	ssyncadd.s32 @!p0 $0xFFFFC000;
	s26 =	sor.u32 s31, s29  }
0x28: {  	v0 =	vld [tilespmem:s26+$0x70]  }
0x29: {  	v2 =	vld [tilespmem:s26+$0x10070]  }
0x2a: {  	v3 =	vld [tilespmem:s26+$0x0]  }
0x2b: {  	v5 =	vld [tilespmem:s26+$0x10000]  }
0x2c: {  	v6 =	vld [tilespmem:s26+$0x10]  }
0x2d: {  	v7 =	vld [tilespmem:s26+$0x10010]  }
0x2e: {  	v1 =	vld [tilespmem:s26+$0x20]  }
0x2f: {  	v4 =	vld [tilespmem:s26+$0x10020];
	v2 =	vadd.f32 v2, v0  }
0x30: {  	v5 =	vadd.f32 v5, v3;
	v0 =	vld [tilespmem:s26+$0x30]  }
0x31: {  	v3 =	vld [tilespmem:s26+$0x10030];
	[tilespmem:s26+$0x8070] =	vst v2  }
0x32: {  	s29 =	simm.s32 $0x0;
	[tilespmem:s26+$0x8000] =	vst v5;
	v5 =	vadd.f32 v7, v6;
	v2 =	vld [tilespmem:s26+$0x40]  }
.LBB2_3:
0x33: {  	s29 =	sadd.s32 $0x8, s29;
	v6 =	vld [tilespmem:s26+$0x10040]  }
0x34: {  	s28 =	sadd.s32 $0x400, s28;
	s30 =	sshll.u32 s29, $0x4;
	p1 =	slt.u32 s29, $0x3F8;
	[tilespmem:s26+$0x8010] =	vst v5;
	v1 =	vadd.f32 v4, v1;
	v4 =	vld [tilespmem:s26+$0x50]  }
0x35: {  	s31 =	sand.u32 $0x1C00, s28;
	s0 =	sshll.u32 s29, $0x1;
	s30 =	sand.u32 $0x2000, s30;
	v5 =	vld [tilespmem:s26+$0x10050]  }
0x36: {  	s0 =	sand.u32 $0x380, s0;
	s30 =	sor.u32 s31, s30;
	[tilespmem:s26+$0x8020] =	vst v1;
	v0 =	vadd.f32 v3, v0;
	v1 =	vld [tilespmem:s26+$0x60]  }
0x37: {  	s0 =	sor.u32 s0, s30;
	v3 =	vld [tilespmem:s26+$0x10060]  }
0x38: {  	v7 =	vld [tilespmem:s0+$0x70];
	[tilespmem:s26+$0x8030] =	vst v0;
	v0 =	vadd.f32 v6, v2  }
0x39: {  	v2 =	vld [tilespmem:s0+$0x10070]  }
0x3a: {  	v6 =	vld [tilespmem:s0+$0x0];
	[tilespmem:s26+$0x8040] =	vst v0;
	v0 =	vadd.f32 v5, v4  }
0x3b: {  	v5 =	vld [tilespmem:s0+$0x10000]  }
0x3c: {  	v8 =	vld [tilespmem:s0+$0x10];
	[tilespmem:s26+$0x8050] =	vst v0;
	v0 =	vadd.f32 v3, v1  }
0x3d: {  	v9 =	vld [tilespmem:s0+$0x10010]  }
.Ltmp0:
0x3e: {  	v1 =	vld [tilespmem:s0+$0x20];
	v2 =	vadd.f32 v2, v7;
	[tilespmem:s26+$0x8060] =	vst v0;
	s26 =	smov.u32 s0;
	(pc) =	sbr.rel @p1 .LBB2_3-.Ltmp0, $4  }
0x3f: {  	v4 =	vld [tilespmem:s26+$0x10020]  }
0x40: {  	v5 =	vadd.f32 v5, v6;
	v0 =	vld [tilespmem:s26+$0x30];
	[tilespmem:s26+$0x8070] =	vst v2  }
0x41: {  	v3 =	vld [tilespmem:s26+$0x10030]  }
0x42: {  	[tilespmem:s26+$0x8000] =	vst v5;
	v5 =	vadd.f32 v9, v8;
	v2 =	vld [tilespmem:s26+$0x40]  }
0x43: {  	v6 =	vld [tilespmem:s26+$0x10040]  }
0x44: {  	v7 =	vld [tilespmem:s26+$0x50]  }
0x45: {  	v8 =	vld [tilespmem:s26+$0x10050]  }
0x46: {  	v9 =	vld [tilespmem:s26+$0x60]  }
0x47: {  	v10 =	vld [tilespmem:s26+$0x10060]  }
0x48: {  	v1 =	vadd.f32 v4, v1  }
0x49: {  	[tilespmem:s26+$0x8010] =	vst v5;
	v0 =	vadd.f32 v3, v0  }
0x4a: {  	p1 =	sne.s32 s21, $0xF;
	[tilespmem:s26+$0x8020] =	vst v1;
	v61 =	vadd.f32 v6, v2  }
.Ltmp1:
0x4b: {  	[tilespmem:s26+$0x8030] =	vst v0;
	v62 =	vadd.f32 v8, v7;
	(pc) =	sbr.rel @p1 .LBB2_6-.Ltmp1, $4  }
0x4c: {  	v63 =	vadd.f32 v10, v9;
	[tilespmem:s26+$0x8040] =	vst v61  }
0x4d: {  	s0 =	sshll.u32 s24, $0x13;
	s31 =	sadd.s32 s4, s25;
	[tilespmem:s26+$0x8050] =	vst v62  }
0x4e: {  	s0 =	sadd.s32 s0, s31;
	[tilespmem:s26+$0x8060] =	vst v63  }
0x4f: {  	[hbm4b:s0+s5] =	stream.linear.scatter [tilespmem:s15], [sflag:$0x3], $0x4000, $0x38;
	[tilespmem:$0x14000] =	vst v63  }
.Ltmp2:
0x50: {  	(pc) =	sbr.rel .LBB2_7-.Ltmp2, $4  }
0x51: {  	_ = 	snop  }
0x52: {  	_ =	swait.ge [sflag:s16], $0x4000  }
0x53: {  	[sflag:s16] =	ssyncset.done $0x0  }
0x54: {  	[sflag:s16] =	ssyncadd.s32 $0xFFFFC000  }
.LBB2_6:
0x55: {  	s0 =	sadd.s32 $0x2, s23  }
0x56: {  	s23 =	sshll.u32 s0, $0x9  }
0x57: {  	s0 =	sshll.u32 s0, $0x13;
	s23 =	sand.u32 $0x7800, s23  }
0x58: {  	s0 =	sand.u32 $0x100000, s0;
	s23 =	sadd.s32 s23, s8  }
.Ltmp3:
0x59: {  	s0 =	sadd.s32 s0, s23;
	(pc) =	sbr.rel @p0 .LBB2_8-.Ltmp3, $4  }
0x5a: {  	[tilespmem:s5], [sflag:$0x1] =	stream.linear.gather [hbm4b:s0+s5], $0x4000, $0x38;
	[tilespmem:$0x14000] =	vst v63  }
0x5b: {  	_ =	swait.ge [sflag:s16], $0x4000  }
0x5c: {  	[sflag:s16] =	ssyncset.done $0x0  }
0x5d: {  	[sflag:s16] =	ssyncadd.s32 $0xFFFFC000  }
.LBB2_7:
0x5e: {  	_ =	swait.ge [sflag:s17], $0x4000  }
0x5f: {  	[sflag:s17] =	ssyncset.done $0x0  }
0x60: {  	[sflag:s17] =	ssyncadd.s32 $0xFFFFC000  }
.LBB2_8:
0x61: {  	s24 =	simm.s32 $0x0;
	s0 =	simm.s32 $0x0  }
0x62: {  	s25 =	simm.s32 $0x0;
	s0 =	sand.u32 $0x2000, s0;
	s23 =	sand.u32 $0x1C00, s24  }
0x63: {  	s31 =	sand.u32 $0x380, s25;
	s0 =	sor.u32 s23, s0  }
0x64: {  	s23 =	sor.u32 s31, s0  }
0x65: {  	v0 =	vld [tilespmem:s23+$0x4070]  }
0x66: {  	v2 =	vld [tilespmem:s23+$0x10070]  }
0x67: {  	v3 =	vld [tilespmem:s23+$0x4000]  }
0x68: {  	v5 =	vld [tilespmem:s23+$0x10000]  }
0x69: {  	v6 =	vld [tilespmem:s23+$0x4010]  }
0x6a: {  	v7 =	vld [tilespmem:s23+$0x10010]  }
0x6b: {  	v1 =	vld [tilespmem:s23+$0x4020]  }
0x6c: {  	v4 =	vld [tilespmem:s23+$0x10020];
	v2 =	vadd.f32 v2, v0  }
0x6d: {  	v5 =	vadd.f32 v5, v3;
	v0 =	vld [tilespmem:s23+$0x4030]  }
0x6e: {  	v3 =	vld [tilespmem:s23+$0x10030];
	[tilespmem:s23+$0xC070] =	vst v2  }
0x6f: {  	s25 =	simm.s32 $0x0;
	[tilespmem:s23+$0xC000] =	vst v5;
	v5 =	vadd.f32 v7, v6;
	v2 =	vld [tilespmem:s23+$0x4040]  }
.LBB2_9:
0x70: {  	s25 =	sadd.s32 $0x8, s25;
	v6 =	vld [tilespmem:s23+$0x10040]  }
0x71: {  	s24 =	sadd.s32 $0x400, s24;
	s0 =	sshll.u32 s25, $0x4;
	p0 =	slt.u32 s25, $0x3F8;
	[tilespmem:s23+$0xC010] =	vst v5;
	v1 =	vadd.f32 v4, v1;
	v4 =	vld [tilespmem:s23+$0x4050]  }
0x72: {  	s26 =	sand.u32 $0x1C00, s24;
	s28 =	sshll.u32 s25, $0x1;
	s0 =	sand.u32 $0x2000, s0;
	v5 =	vld [tilespmem:s23+$0x10050]  }
0x73: {  	s0 =	sor.u32 s26, s0;
	s26 =	sand.u32 $0x380, s28;
	[tilespmem:s23+$0xC020] =	vst v1;
	v0 =	vadd.f32 v3, v0;
	v1 =	vld [tilespmem:s23+$0x4060]  }
0x74: {  	s0 =	sor.u32 s26, s0;
	v3 =	vld [tilespmem:s23+$0x10060]  }
0x75: {  	v7 =	vld [tilespmem:s0+$0x4070];
	[tilespmem:s23+$0xC030] =	vst v0;
	v0 =	vadd.f32 v6, v2  }
0x76: {  	v2 =	vld [tilespmem:s0+$0x10070]  }
0x77: {  	v6 =	vld [tilespmem:s0+$0x4000];
	[tilespmem:s23+$0xC040] =	vst v0;
	v0 =	vadd.f32 v5, v4  }
0x78: {  	v5 =	vld [tilespmem:s0+$0x10000]  }
0x79: {  	v8 =	vld [tilespmem:s0+$0x4010];
	[tilespmem:s23+$0xC050] =	vst v0;
	v0 =	vadd.f32 v3, v1  }
0x7a: {  	v9 =	vld [tilespmem:s0+$0x10010]  }
.Ltmp4:
0x7b: {  	v1 =	vld [tilespmem:s0+$0x4020];
	v2 =	vadd.f32 v2, v7;
	[tilespmem:s23+$0xC060] =	vst v0;
	s23 =	smov.u32 s0;
	(pc) =	sbr.rel @p0 .LBB2_9-.Ltmp4, $4  }
0x7c: {  	v4 =	vld [tilespmem:s23+$0x10020]  }
0x7d: {  	v5 =	vadd.f32 v5, v6;
	v0 =	vld [tilespmem:s23+$0x4030];
	[tilespmem:s23+$0xC070] =	vst v2  }
0x7e: {  	v3 =	vld [tilespmem:s23+$0x10030]  }
0x7f: {  	[tilespmem:s23+$0xC000] =	vst v5;
	v5 =	vadd.f32 v9, v8;
	v2 =	vld [tilespmem:s23+$0x4040]  }
0x80: {  	v6 =	vld [tilespmem:s23+$0x10040]  }
0x81: {  	v7 =	vld [tilespmem:s23+$0x4050]  }
0x82: {  	v8 =	vld [tilespmem:s23+$0x10050]  }
0x83: {  	v9 =	vld [tilespmem:s23+$0x4060]  }
0x84: {  	v10 =	vld [tilespmem:s23+$0x10060]  }
0x85: {  	v1 =	vadd.f32 v4, v1  }
0x86: {  	s21 =	sadd.s32 $0x1, s21;
	[tilespmem:s23+$0xC010] =	vst v5;
	v0 =	vadd.f32 v3, v0  }
0x87: {  	p0 =	sne.s32 s21, $0x10;
	[tilespmem:s23+$0xC020] =	vst v1;
	v61 =	vadd.f32 v6, v2  }
.Ltmp5:
0x88: {  	[tilespmem:s23+$0xC030] =	vst v0;
	v62 =	vadd.f32 v8, v7;
	(pc) =	sbr.rel @p0 .LBB2_2-.Ltmp5, $4  }
0x89: {  	v63 =	vadd.f32 v10, v9;
	[tilespmem:s23+$0xC040] =	vst v61  }
0x8a: {  	[tilespmem:s23+$0xC050] =	vst v62  }
0x8b: {  	s0 =	sadd.s32 s4, s22;
	[tilespmem:s23+$0xC060] =	vst v63  }
0x8c: {  	[hbm4b:s0+s5] =	stream.linear.scatter [tilespmem:s18], [sflag:$0x4], $0x4000, $0x38;
	[tilespmem:$0x14000] =	vst v63  }
0x8d: {  	s20 =	sadd.s32 $0x1, s20  }
0x8e: {  	_ =	swait.ge [sflag:s19], $0x4000;
	p0 =	sne.s32 s20, s10  }
.Ltmp6:
0x8f: {  	[sflag:s19] =	ssyncset.done $0x0;
	(pc) =	sbr.rel @p0 .LBB2_1-.Ltmp6, $4  }
0x90: {  	[sflag:s19] =	ssyncadd.s32 $0xFFFFC000  }
0x91: {  	_ =	swait.ge [sflag:s17], $0x4000  }
0x92: {  	[sflag:s17] =	ssyncset.done $0x0  }
0x93: {  	[sflag:s17] =	ssyncadd.s32 $0xFFFFC000  }
0x94: {  	_ =	sfence.sel $0x180000  }
0x95: {  	[bflag:$0x0] =	sbarrier.arrive $0xFFFF  }
0x96: {  	_ =	strace $0x90000047  }
0x97: {  	[bflag:$0x2] =	sbarrier.arrive $0xFFFF  }
0x98: {  	p0 =	sne.s32 s1, $0x0;
	s0 =	rddreg [dreg:$0x3]  }
0x99: {  	s0 =	sadd.s32 @!p0 $0x100000, s0  }
0x9a: {  	[sflag:s0] =	ssyncadd.tile.s32 @!p0 $0x1;
	_ =	shalt  }
.Lfunc_end2:
_tile_overlayer_lowered:
.L_overlay_start_2:
0x9b: {  	(tag) =	ssettag $0x2  }
0x9c: {  	s0 =	rddreg [dreg:$0x0];
	s2 =	stileid.u32  }
0x9d: {  	s1 =	rddreg [dreg:$0x1];
	p0 =	sne.s32 s2, $0x0  }
0x9e: {  	s3 =	rddreg [dreg:$0x2];
	[bflag:$0x3] =	sbarrier.arrive $0xFFFF;
	s2 =	simm.s32 @!p0 $0x1C05  }
0x9f: {  	[timem:s3], [sflag:s2] =	dma.local @!p0 [hbm:s0], s1  }
0xa0: {  	s0 =	simm.s32 @!p0 $0x5  }
0xa1: {  	_ =	swait.ge @!p0 [sflag:s0], s1  }
0xa2: {  	s1 =	ssub.s32 @!p0 $0x0, s1;
	[sflag:s0] =	ssyncset.done @!p0 $0x0  }
0xa3: {  	[sflag:s0] =	ssyncadd.s32 @!p0 s1  }
0xa4: {  	[bflag:$0x3] =	sbarrier.arrive $0xFFFF  }
0xa5: {  	_ =	shalt  }

</sc_bundles>
